<compile_context>
chip_gen: v7x
topology: tpu7x:2x2x1
jax: 0.10.2.dev20260603
libtpu: 0.0.44.dev20260713+nightly
codegen_flags: <defaults>
</compile_context>

<pallas_src>
import jax
import jax.numpy as jnp
from jax import lax
from jax.experimental import pallas as pl
from jax.experimental.pallas import tpu as pltpu
from jax.experimental.pallas import tpu_sc as plsc

NC = 2
NS = 16
NW = NC * NS

D = 128
CHUNK = 128
GROUP = 1
ROWS = GROUP * CHUNK
NBUF = 4
TSPLIT = 5


def _gather_body(x_hbm, w_hbm, out_hbm, tbl_s, idx_v, rows_v, gsem, ssem):
    sid = lax.axis_index("s")
    wid = sid * NC + lax.axis_index("c")
    n_groups = x_hbm.shape[1] // GROUP
    base = wid * (n_groups * ROWS)

    rows_per_piece = tbl_s.shape[0] // TSPLIT

    @pl.when(sid < TSPLIT)
    def _():
        piece = pl.ds(sid * rows_per_piece, rows_per_piece)
        pltpu.async_copy(w_hbm.at[piece], tbl_s.at[piece], gsem.at[0])

    pltpu.sync_copy(x_hbm.at[wid], idx_v)

    @pl.when(sid < TSPLIT)
    def _():
        piece = pl.ds(sid * rows_per_piece, rows_per_piece)
        pltpu.make_async_copy(w_hbm.at[piece], tbl_s.at[piece], gsem.at[0]).wait()

    plsc.subcore_barrier()

    def fire_gather(j, b):
        for h in range(GROUP):
            pltpu.async_copy(
                tbl_s.at[idx_v.at[GROUP * j + h]],
                rows_v.at[b].at[pl.ds(h * CHUNK, CHUNK)],
                gsem.at[b],
            )

    def fire_scatter(j, b):
        pltpu.async_copy(
            rows_v.at[b], out_hbm.at[pl.ds(base + j * ROWS, ROWS)], ssem.at[b]
        )

    def wait_gather(b):
        pltpu.make_async_copy(
            out_hbm.at[pl.ds(base, ROWS)], rows_v.at[b], gsem.at[b]
        ).wait()

    def wait_scatter(j, b):
        pltpu.make_async_copy(
            rows_v.at[b], out_hbm.at[pl.ds(base + j * ROWS, ROWS)], ssem.at[b]
        ).wait()

    for b in range(NBUF):
        fire_gather(b, b)

    def body(o, _):
        j0 = o * NBUF
        for b in range(NBUF):
            j = j0 + b
            wait_gather(b)
            fire_scatter(j, b)
            wait_scatter(j, b)
            fire_gather(j + NBUF, b)
        return 0

    lax.fori_loop(0, (n_groups - NBUF) // NBUF, body, 0, unroll=False)

    for b in range(NBUF):
        j = n_groups - NBUF + b
        wait_gather(b)
        fire_scatter(j, b)
    for b in range(NBUF):
        wait_scatter(n_groups - NBUF + b, b)


def kernel(x, weight):
    B, S = x.shape
    total = B * S
    per_w = total // NW
    n_chunks = per_w // CHUNK
    x3 = x.reshape(NW, n_chunks, CHUNK)

    mesh = plsc.VectorSubcoreMesh(
        core_axis_name="c", subcore_axis_name="s", num_cores=NC, num_subcores=NS
    )
    out = pl.kernel(
        _gather_body,
        out_type=jax.ShapeDtypeStruct((total, D), jnp.float32),
        mesh=mesh,
        scratch_types=[
            pltpu.VMEM_SHARED(weight.shape, jnp.float32),
            pltpu.VMEM((n_chunks, CHUNK), jnp.int32),
            pltpu.VMEM((NBUF, ROWS, D), jnp.float32),
            pltpu.SemaphoreType.DMA((NBUF,)),
            pltpu.SemaphoreType.DMA((NBUF,)),
        ],
    )(x3, weight)
    return lax.stop_gradient(out.reshape(B, S, D))

# --- scband reference (transcript-rebuilt; emitter-appended) ---
"""Pipeline reference for scband-fixed-embedding-41609643163715 (READ-ONLY COPY).

The authoritative reference and input builder live on the scoring server;
editing this copy changes nothing except your own understanding.
"""

import jax, jax.numpy as jnp
import numpy as np

C_IN = 1000
D_MODEL = 128
BATCH = 4096
SEQ_LEN = 200

def _build_fixed_table(c_in, d_model):
    position = np.arange(0, c_in, dtype=np.float32)[:, None]
    div_term = np.exp(np.arange(0, d_model, 2, dtype=np.float32) * (-np.log(10000.0) / d_model))
    weight = np.zeros((c_in, d_model), dtype=np.float32)
    weight[:, 0::2] = np.sin(position * div_term)
    weight[:, 1::2] = np.cos(position * div_term)
    return jnp.asarray(weight)

def setup_inputs(seed: int = 0) -> dict:
    key = jax.random.key(seed)
    x = jax.random.randint(key, (BATCH, SEQ_LEN), 0, C_IN, dtype=jnp.int32)
    weight = _build_fixed_table(C_IN, D_MODEL)
    return {"x": x, "weight": weight}

def reference(x, weight):
    # embedding lookup: gather rows of the fixed sinusoidal table
    out = jnp.take(weight, x, axis=0)
    # the torch module calls .detach() on the output (table is frozen)
    return jax.lax.stop_gradient(out)

if __name__ == "__main__":
    import jax
    _d = setup_inputs()
    print(jax.jit(kernel)(*tuple(_d.values())))

</pallas_src>

<mosaic_0001>
#map = affine_map<(d0, d1) -> (0, 0, 0)>
#map1 = affine_map<(d0, d1) -> (0, 0)>
module attributes {stable_mosaic.version = 14 : i64} {
  func.func @_gather_body(%arg0: i32, %arg1: i32, %arg2: memref<32x200x128xi32, #tpu.memory_space<hbm>>, %arg3: memref<1000x128xf32, #tpu.memory_space<hbm>>, %arg4: memref<819200x128xf32, #tpu.memory_space<hbm>>, %arg5: memref<1000x128xf32, #tpu.memory_space<vmem_shared>>, %arg6: memref<200x128xi32, #tpu.memory_space<vmem>>, %arg7: memref<4x128x128xf32, #tpu.memory_space<vmem>>, %arg8: memref<4x!tpu.dma_semaphore, #tpu.memory_space<semaphore_mem>>, %arg9: memref<4x!tpu.dma_semaphore, #tpu.memory_space<semaphore_mem>>) attributes {dimension_semantics = [#tpu.dimension_semantics<core_parallel>, #tpu.dimension_semantics<subcore_parallel>], iteration_bounds = array<i64: 2, 16>, scalar_prefetch = 0 : i64, scratch_operands = 5 : i64, tpu.core_type = #tpu.core_type<sc_vector_subcore>, window_params = [{transform_indices = #map}, {transform_indices = #map1}, {transform_indices = #map1}]} {
    %mul3A = arith.constant 2 : i32
    %mul3A_0 = arith.muli %arg1, %mul3A : i32
    %add3A = arith.addi %mul3A_0, %arg0 : i32
    %mul3A_1 = arith.constant 25600 : i32
    %mul3A_2 = arith.muli %add3A, %mul3A_1 : i32
    %lt3A = arith.constant 5 : i32
    %lt3A_3 = arith.cmpi slt, %arg1, %lt3A : i32
    %convert_element_type3A = arith.extui %lt3A_3 : i1 to i32
    %cond3A = arith.constant 0 : i32
    %cond3A_4 = arith.cmpi ne, %convert_element_type3A, %cond3A : i32
    scf.if %cond3A_4 {
      %mul3A_294 = arith.constant 200 : i32
      %mul3A_295 = arith.muli %arg1, %mul3A_294 : i32
      %dma_start3A_296 = arith.constant 0 : i32
      %dma_start3A_297 = tpu.memref_slice %arg8[%dma_start3A_296] : memref<4x!tpu.dma_semaphore, #tpu.memory_space<semaphore_mem>> -> memref<1x!tpu.dma_semaphore, #tpu.memory_space<semaphore_mem>>
      %dma_start3A_298 = tpu.memref_squeeze %dma_start3A_297 : memref<1x!tpu.dma_semaphore, #tpu.memory_space<semaphore_mem>> -> memref<!tpu.dma_semaphore, #tpu.memory_space<semaphore_mem>>
      %dma_start3A_299 = arith.constant 0 : i32
      %dma_start3A_300 = tpu.memref_slice %arg5[%mul3A_295, %dma_start3A_299] : memref<1000x128xf32, #tpu.memory_space<vmem_shared>> -> memref<200x128xf32, #tpu.memory_space<vmem_shared>>
      %dma_start3A_301 = arith.constant 0 : i32
      %dma_start3A_302 = tpu.memref_slice %arg3[%mul3A_295, %dma_start3A_301] : memref<1000x128xf32, #tpu.memory_space<hbm>> -> memref<200x128xf32, #tpu.memory_space<hbm>>
      tpu.enqueue_dma source(%dma_start3A_302 : memref<200x128xf32, #tpu.memory_space<hbm>>) target(%dma_start3A_300 : memref<200x128xf32, #tpu.memory_space<vmem_shared>>) target_semaphore(%dma_start3A_298 : memref<!tpu.dma_semaphore, #tpu.memory_space<semaphore_mem>>)
    } else {
    }
    "tpu.region"() ({
      %run_scoped3A = tpu.sem_alloc : memref<!tpu.dma_semaphore, #tpu.memory_space<semaphore_mem>>
      %dma_start3A_294 = arith.constant 0 : i32
      %dma_start3A_295 = arith.constant 0 : i32
      %dma_start3A_296 = tpu.memref_slice %arg2[%add3A, %dma_start3A_294, %dma_start3A_295] : memref<32x200x128xi32, #tpu.memory_space<hbm>> -> memref<1x200x128xi32, #tpu.memory_space<hbm>>
      %dma_start3A_297 = tpu.memref_squeeze %dma_start3A_296 : memref<1x200x128xi32, #tpu.memory_space<hbm>> -> memref<200x128xi32, #tpu.memory_space<hbm>>
      %dma_start3A_298 = arith.constant 0 : i32
      %dma_start3A_299 = arith.constant 0 : i32
      %dma_start3A_300 = tpu.memref_slice %arg2[%add3A, %dma_start3A_298, %dma_start3A_299] : memref<32x200x128xi32, #tpu.memory_space<hbm>> -> memref<1x200x128xi32, #tpu.memory_space<hbm>>
      %dma_start3A_301 = tpu.memref_squeeze %dma_start3A_300 : memref<1x200x128xi32, #tpu.memory_space<hbm>> -> memref<200x128xi32, #tpu.memory_space<hbm>>
      tpu.enqueue_dma source(%dma_start3A_301 : memref<200x128xi32, #tpu.memory_space<hbm>>) target(%arg6 : memref<200x128xi32, #tpu.memory_space<vmem>>) target_semaphore(%run_scoped3A : memref<!tpu.dma_semaphore, #tpu.memory_space<semaphore_mem>>)
      %dma_wait3A_302 = arith.constant 0 : i32
      %dma_wait3A_303 = arith.constant 0 : i32
      %dma_wait3A_304 = tpu.memref_slice %arg2[%add3A, %dma_wait3A_302, %dma_wait3A_303] : memref<32x200x128xi32, #tpu.memory_space<hbm>> -> memref<1x200x128xi32, #tpu.memory_space<hbm>>
      %dma_wait3A_305 = tpu.memref_squeeze %dma_wait3A_304 : memref<1x200x128xi32, #tpu.memory_space<hbm>> -> memref<200x128xi32, #tpu.memory_space<hbm>>
      %dma_wait3A_306 = arith.constant 0 : i32
      %dma_wait3A_307 = arith.constant 0 : i32
      %dma_wait3A_308 = tpu.memref_slice %arg2[%add3A, %dma_wait3A_306, %dma_wait3A_307] : memref<32x200x128xi32, #tpu.memory_space<hbm>> -> memref<1x200x128xi32, #tpu.memory_space<hbm>>
      %dma_wait3A_309 = tpu.memref_squeeze %dma_wait3A_308 : memref<1x200x128xi32, #tpu.memory_space<hbm>> -> memref<200x128xi32, #tpu.memory_space<hbm>>
      tpu.wait_dma2 semaphore(%run_scoped3A : memref<!tpu.dma_semaphore, #tpu.memory_space<semaphore_mem>>) src(%dma_wait3A_309 : memref<200x128xi32, #tpu.memory_space<hbm>>) dst(%arg6 : memref<200x128xi32, #tpu.memory_space<vmem>>)
      tpu.yield
    }) : () -> ()
    %lt3A_5 = arith.constant 5 : i32
    %lt3A_6 = arith.cmpi slt, %arg1, %lt3A_5 : i32
    %convert_element_type3A_7 = arith.extui %lt3A_6 : i1 to i32
    %cond3A_8 = arith.constant 0 : i32
    %cond3A_9 = arith.cmpi ne, %convert_element_type3A_7, %cond3A_8 : i32
    scf.if %cond3A_9 {
      %mul3A_294 = arith.constant 200 : i32
      %mul3A_295 = arith.muli %arg1, %mul3A_294 : i32
      %dma_wait3A_296 = arith.constant 0 : i32
      %dma_wait3A_297 = tpu.memref_slice %arg8[%dma_wait3A_296] : memref<4x!tpu.dma_semaphore, #tpu.memory_space<semaphore_mem>> -> memref<1x!tpu.dma_semaphore, #tpu.memory_space<semaphore_mem>>
      %dma_wait3A_298 = tpu.memref_squeeze %dma_wait3A_297 : memref<1x!tpu.dma_semaphore, #tpu.memory_space<semaphore_mem>> -> memref<!tpu.dma_semaphore, #tpu.memory_space<semaphore_mem>>
      %dma_wait3A_299 = arith.constant 0 : i32
      %dma_wait3A_300 = tpu.memref_slice %arg5[%mul3A_295, %dma_wait3A_299] : memref<1000x128xf32, #tpu.memory_space<vmem_shared>> -> memref<200x128xf32, #tpu.memory_space<vmem_shared>>
      %dma_wait3A_301 = arith.constant 0 : i32
      %dma_wait3A_302 = tpu.memref_slice %arg3[%mul3A_295, %dma_wait3A_301] : memref<1000x128xf32, #tpu.memory_space<hbm>> -> memref<200x128xf32, #tpu.memory_space<hbm>>
      tpu.wait_dma2 semaphore(%dma_wait3A_298 : memref<!tpu.dma_semaphore, #tpu.memory_space<semaphore_mem>>) src(%dma_wait3A_302 : memref<200x128xf32, #tpu.memory_space<hbm>>) dst(%dma_wait3A_300 : memref<200x128xf32, #tpu.memory_space<vmem_shared>>)
    } else {
    }
    %barrier3A = arith.constant 0 : index
    tpu.barrier barrier_id(%barrier3A)
    %dma_start3A = arith.constant 0 : i32
    %dma_start3A_10 = arith.constant 0 : i32
    %dma_start3A_11 = arith.constant 0 : i32
    %dma_start3A_12 = arith.constant 0 : i32
    %dma_start3A_13 = arith.constant 0 : i32
    %dma_start3A_14 = tpu.memref_slice %arg7[%dma_start3A_10, %dma_start3A_12, %dma_start3A_13] : memref<4x128x128xf32, #tpu.memory_space<vmem>> -> memref<1x128x128xf32, #tpu.memory_space<vmem>>
    %dma_start3A_15 = tpu.memref_squeeze %dma_start3A_14 : memref<1x128x128xf32, #tpu.memory_space<vmem>> -> memref<128x128xf32, #tpu.memory_space<vmem>>
    %dma_start3A_16 = arith.constant 0 : i32
    %dma_start3A_17 = arith.constant 0 : i32
    %dma_start3A_18 = tpu.memref_slice %dma_start3A_15[%dma_start3A_16, %dma_start3A_17] : memref<128x128xf32, #tpu.memory_space<vmem>> -> memref<128x128xf32, #tpu.memory_space<vmem>>
    %dma_start3A_19 = arith.constant 0 : i32
    %dma_start3A_20 = tpu.memref_slice %arg6[%dma_start3A, %dma_start3A_19] : memref<200x128xi32, #tpu.memory_space<vmem>> -> memref<1x128xi32, #tpu.memory_space<vmem>>
    %dma_start3A_21 = tpu.memref_squeeze %dma_start3A_20 : memref<1x128xi32, #tpu.memory_space<vmem>> -> memref<128xi32, #tpu.memory_space<vmem>>
    %dma_start3A_22 = arith.constant 0 : i32
    %dma_start3A_23 = arith.constant 0 : i32
    %dma_start3A_24 = tpu.memref_slice %arg5[%dma_start3A_22, %dma_start3A_23] : memref<1000x128xf32, #tpu.memory_space<vmem_shared>> -> memref<1000x128xf32, #tpu.memory_space<vmem_shared>>
    %dma_start3A_25 = tpu.memref_slice %arg8[%dma_start3A_11] : memref<4x!tpu.dma_semaphore, #tpu.memory_space<semaphore_mem>> -> memref<1x!tpu.dma_semaphore, #tpu.memory_space<semaphore_mem>>
    %dma_start3A_26 = tpu.memref_squeeze %dma_start3A_25 : memref<1x!tpu.dma_semaphore, #tpu.memory_space<semaphore_mem>> -> memref<!tpu.dma_semaphore, #tpu.memory_space<semaphore_mem>>
    tpu.enqueue_indirect_dma source(%dma_start3A_24 : memref<1000x128xf32, #tpu.memory_space<vmem_shared>>) target(%dma_start3A_18 : memref<128x128xf32, #tpu.memory_space<vmem>>) offsets(%dma_start3A_21 : memref<128xi32, #tpu.memory_space<vmem>>) semaphore(%dma_start3A_26 : memref<!tpu.dma_semaphore, #tpu.memory_space<semaphore_mem>>)
    %dma_start3A_27 = arith.constant 1 : i32
    %dma_start3A_28 = arith.constant 1 : i32
    %dma_start3A_29 = arith.constant 1 : i32
    %dma_start3A_30 = arith.constant 0 : i32
    %dma_start3A_31 = arith.constant 0 : i32
    %dma_start3A_32 = tpu.memref_slice %arg7[%dma_start3A_28, %dma_start3A_30, %dma_start3A_31] : memref<4x128x128xf32, #tpu.memory_space<vmem>> -> memref<1x128x128xf32, #tpu.memory_space<vmem>>
    %dma_start3A_33 = tpu.memref_squeeze %dma_start3A_32 : memref<1x128x128xf32, #tpu.memory_space<vmem>> -> memref<128x128xf32, #tpu.memory_space<vmem>>
    %dma_start3A_34 = arith.constant 0 : i32
    %dma_start3A_35 = arith.constant 0 : i32
    %dma_start3A_36 = tpu.memref_slice %dma_start3A_33[%dma_start3A_34, %dma_start3A_35] : memref<128x128xf32, #tpu.memory_space<vmem>> -> memref<128x128xf32, #tpu.memory_space<vmem>>
    %dma_start3A_37 = arith.constant 0 : i32
    %dma_start3A_38 = tpu.memref_slice %arg6[%dma_start3A_27, %dma_start3A_37] : memref<200x128xi32, #tpu.memory_space<vmem>> -> memref<1x128xi32, #tpu.memory_space<vmem>>
    %dma_start3A_39 = tpu.memref_squeeze %dma_start3A_38 : memref<1x128xi32, #tpu.memory_space<vmem>> -> memref<128xi32, #tpu.memory_space<vmem>>
    %dma_start3A_40 = arith.constant 0 : i32
    %dma_start3A_41 = arith.constant 0 : i32
    %dma_start3A_42 = tpu.memref_slice %arg5[%dma_start3A_40, %dma_start3A_41] : memref<1000x128xf32, #tpu.memory_space<vmem_shared>> -> memref<1000x128xf32, #tpu.memory_space<vmem_shared>>
    %dma_start3A_43 = tpu.memref_slice %arg8[%dma_start3A_29] : memref<4x!tpu.dma_semaphore, #tpu.memory_space<semaphore_mem>> -> memref<1x!tpu.dma_semaphore, #tpu.memory_space<semaphore_mem>>
    %dma_start3A_44 = tpu.memref_squeeze %dma_start3A_43 : memref<1x!tpu.dma_semaphore, #tpu.memory_space<semaphore_mem>> -> memref<!tpu.dma_semaphore, #tpu.memory_space<semaphore_mem>>
    tpu.enqueue_indirect_dma source(%dma_start3A_42 : memref<1000x128xf32, #tpu.memory_space<vmem_shared>>) target(%dma_start3A_36 : memref<128x128xf32, #tpu.memory_space<vmem>>) offsets(%dma_start3A_39 : memref<128xi32, #tpu.memory_space<vmem>>) semaphore(%dma_start3A_44 : memref<!tpu.dma_semaphore, #tpu.memory_space<semaphore_mem>>)
    %dma_start3A_45 = arith.constant 2 : i32
    %dma_start3A_46 = arith.constant 2 : i32
    %dma_start3A_47 = arith.constant 2 : i32
    %dma_start3A_48 = arith.constant 0 : i32
    %dma_start3A_49 = arith.constant 0 : i32
    %dma_start3A_50 = tpu.memref_slice %arg7[%dma_start3A_46, %dma_start3A_48, %dma_start3A_49] : memref<4x128x128xf32, #tpu.memory_space<vmem>> -> memref<1x128x128xf32, #tpu.memory_space<vmem>>
    %dma_start3A_51 = tpu.memref_squeeze %dma_start3A_50 : memref<1x128x128xf32, #tpu.memory_space<vmem>> -> memref<128x128xf32, #tpu.memory_space<vmem>>
    %dma_start3A_52 = arith.constant 0 : i32
    %dma_start3A_53 = arith.constant 0 : i32
    %dma_start3A_54 = tpu.memref_slice %dma_start3A_51[%dma_start3A_52, %dma_start3A_53] : memref<128x128xf32, #tpu.memory_space<vmem>> -> memref<128x128xf32, #tpu.memory_space<vmem>>
    %dma_start3A_55 = arith.constant 0 : i32
    %dma_start3A_56 = tpu.memref_slice %arg6[%dma_start3A_45, %dma_start3A_55] : memref<200x128xi32, #tpu.memory_space<vmem>> -> memref<1x128xi32, #tpu.memory_space<vmem>>
    %dma_start3A_57 = tpu.memref_squeeze %dma_start3A_56 : memref<1x128xi32, #tpu.memory_space<vmem>> -> memref<128xi32, #tpu.memory_space<vmem>>
    %dma_start3A_58 = arith.constant 0 : i32
    %dma_start3A_59 = arith.constant 0 : i32
    %dma_start3A_60 = tpu.memref_slice %arg5[%dma_start3A_58, %dma_start3A_59] : memref<1000x128xf32, #tpu.memory_space<vmem_shared>> -> memref<1000x128xf32, #tpu.memory_space<vmem_shared>>
    %dma_start3A_61 = tpu.memref_slice %arg8[%dma_start3A_47] : memref<4x!tpu.dma_semaphore, #tpu.memory_space<semaphore_mem>> -> memref<1x!tpu.dma_semaphore, #tpu.memory_space<semaphore_mem>>
    %dma_start3A_62 = tpu.memref_squeeze %dma_start3A_61 : memref<1x!tpu.dma_semaphore, #tpu.memory_space<semaphore_mem>> -> memref<!tpu.dma_semaphore, #tpu.memory_space<semaphore_mem>>
    tpu.enqueue_indirect_dma source(%dma_start3A_60 : memref<1000x128xf32, #tpu.memory_space<vmem_shared>>) target(%dma_start3A_54 : memref<128x128xf32, #tpu.memory_space<vmem>>) offsets(%dma_start3A_57 : memref<128xi32, #tpu.memory_space<vmem>>) semaphore(%dma_start3A_62 : memref<!tpu.dma_semaphore, #tpu.memory_space<semaphore_mem>>)
    %dma_start3A_63 = arith.constant 3 : i32
    %dma_start3A_64 = arith.constant 3 : i32
    %dma_start3A_65 = arith.constant 3 : i32
    %dma_start3A_66 = arith.constant 0 : i32
    %dma_start3A_67 = arith.constant 0 : i32
    %dma_start3A_68 = tpu.memref_slice %arg7[%dma_start3A_64, %dma_start3A_66, %dma_start3A_67] : memref<4x128x128xf32, #tpu.memory_space<vmem>> -> memref<1x128x128xf32, #tpu.memory_space<vmem>>
    %dma_start3A_69 = tpu.memref_squeeze %dma_start3A_68 : memref<1x128x128xf32, #tpu.memory_space<vmem>> -> memref<128x128xf32, #tpu.memory_space<vmem>>
    %dma_start3A_70 = arith.constant 0 : i32
    %dma_start3A_71 = arith.constant 0 : i32
    %dma_start3A_72 = tpu.memref_slice %dma_start3A_69[%dma_start3A_70, %dma_start3A_71] : memref<128x128xf32, #tpu.memory_space<vmem>> -> memref<128x128xf32, #tpu.memory_space<vmem>>
    %dma_start3A_73 = arith.constant 0 : i32
    %dma_start3A_74 = tpu.memref_slice %arg6[%dma_start3A_63, %dma_start3A_73] : memref<200x128xi32, #tpu.memory_space<vmem>> -> memref<1x128xi32, #tpu.memory_space<vmem>>
    %dma_start3A_75 = tpu.memref_squeeze %dma_start3A_74 : memref<1x128xi32, #tpu.memory_space<vmem>> -> memref<128xi32, #tpu.memory_space<vmem>>
    %dma_start3A_76 = arith.constant 0 : i32
    %dma_start3A_77 = arith.constant 0 : i32
    %dma_start3A_78 = tpu.memref_slice %arg5[%dma_start3A_76, %dma_start3A_77] : memref<1000x128xf32, #tpu.memory_space<vmem_shared>> -> memref<1000x128xf32, #tpu.memory_space<vmem_shared>>
    %dma_start3A_79 = tpu.memref_slice %arg8[%dma_start3A_65] : memref<4x!tpu.dma_semaphore, #tpu.memory_space<semaphore_mem>> -> memref<1x!tpu.dma_semaphore, #tpu.memory_space<semaphore_mem>>
    %dma_start3A_80 = tpu.memref_squeeze %dma_start3A_79 : memref<1x!tpu.dma_semaphore, #tpu.memory_space<semaphore_mem>> -> memref<!tpu.dma_semaphore, #tpu.memory_space<semaphore_mem>>
    tpu.enqueue_indirect_dma source(%dma_start3A_78 : memref<1000x128xf32, #tpu.memory_space<vmem_shared>>) target(%dma_start3A_72 : memref<128x128xf32, #tpu.memory_space<vmem>>) offsets(%dma_start3A_75 : memref<128xi32, #tpu.memory_space<vmem>>) semaphore(%dma_start3A_80 : memref<!tpu.dma_semaphore, #tpu.memory_space<semaphore_mem>>)
    %scan3A = arith.constant 0 : i32
    %scan3A_81 = arith.constant 0 : i32
    %scan3A_82 = arith.constant 49 : i32
    %scan3A_83 = arith.addi %scan3A_81, %scan3A_82 : i32
    %scan3A_84 = arith.constant 1 : i32
    %scan3A_85 = scf.for %scan3A_294 = %scan3A_81 to %scan3A_83 step %scan3A_84 iter_args(%scan3A_295 = %scan3A) -> (i32)  : i32 {
      %mul3A_296 = arith.constant 4 : i32
      %mul3A_297 = arith.muli %scan3A_294, %mul3A_296 : i32
      %add3A_298 = arith.constant 0 : i32
      %add3A_299 = arith.addi %mul3A_297, %add3A_298 : i32
      %dma_wait3A_300 = arith.constant 0 : i32
      %dma_wait3A_301 = arith.constant 0 : i32
      %dma_wait3A_302 = arith.constant 0 : i32
      %dma_wait3A_303 = arith.constant 0 : i32
      %dma_wait3A_304 = tpu.memref_slice %arg7[%dma_wait3A_300, %dma_wait3A_302, %dma_wait3A_303] : memref<4x128x128xf32, #tpu.memory_space<vmem>> -> memref<1x128x128xf32, #tpu.memory_space<vmem>>
      %dma_wait3A_305 = tpu.memref_squeeze %dma_wait3A_304 : memref<1x128x128xf32, #tpu.memory_space<vmem>> -> memref<128x128xf32, #tpu.memory_space<vmem>>
      %dma_wait3A_306 = arith.constant 0 : i32
      %dma_wait3A_307 = tpu.memref_slice %arg4[%mul3A_2, %dma_wait3A_306] : memref<819200x128xf32, #tpu.memory_space<hbm>> -> memref<128x128xf32, #tpu.memory_space<hbm>>
      %dma_wait3A_308 = tpu.memref_slice %arg8[%dma_wait3A_301] : memref<4x!tpu.dma_semaphore, #tpu.memory_space<semaphore_mem>> -> memref<1x!tpu.dma_semaphore, #tpu.memory_space<semaphore_mem>>
      %dma_wait3A_309 = tpu.memref_squeeze %dma_wait3A_308 : memref<1x!tpu.dma_semaphore, #tpu.memory_space<semaphore_mem>> -> memref<!tpu.dma_semaphore, #tpu.memory_space<semaphore_mem>>
      %dma_wait3A_310 = arith.constant 0 : i32
      %dma_wait3A_311 = arith.constant 0 : i32
      %dma_wait3A_312 = tpu.memref_slice %arg7[%dma_wait3A_300, %dma_wait3A_310, %dma_wait3A_311] : memref<4x128x128xf32, #tpu.memory_space<vmem>> -> memref<1x128x128xf32, #tpu.memory_space<vmem>>
      %dma_wait3A_313 = tpu.memref_squeeze %dma_wait3A_312 : memref<1x128x128xf32, #tpu.memory_space<vmem>> -> memref<128x128xf32, #tpu.memory_space<vmem>>
      %dma_wait3A_314 = arith.constant 0 : i32
      %dma_wait3A_315 = tpu.memref_slice %arg4[%mul3A_2, %dma_wait3A_314] : memref<819200x128xf32, #tpu.memory_space<hbm>> -> memref<128x128xf32, #tpu.memory_space<hbm>>
      tpu.wait_dma2 semaphore(%dma_wait3A_309 : memref<!tpu.dma_semaphore, #tpu.memory_space<semaphore_mem>>) src(%dma_wait3A_315 : memref<128x128xf32, #tpu.memory_space<hbm>>) dst(%dma_wait3A_313 : memref<128x128xf32, #tpu.memory_space<vmem>>)
      %mul3A_316 = arith.constant 128 : i32
      %mul3A_317 = arith.muli %add3A_299, %mul3A_316 : i32
      %add3A_318 = arith.addi %mul3A_2, %mul3A_317 : i32
      %dma_start3A_319 = arith.constant 0 : i32
      %dma_start3A_320 = arith.constant 0 : i32
      %dma_start3A_321 = arith.constant 0 : i32
      %dma_start3A_322 = arith.constant 0 : i32
      %dma_start3A_323 = tpu.memref_slice %arg7[%dma_start3A_319, %dma_start3A_321, %dma_start3A_322] : memref<4x128x128xf32, #tpu.memory_space<vmem>> -> memref<1x128x128xf32, #tpu.memory_space<vmem>>
      %dma_start3A_324 = tpu.memref_squeeze %dma_start3A_323 : memref<1x128x128xf32, #tpu.memory_space<vmem>> -> memref<128x128xf32, #tpu.memory_space<vmem>>
      %dma_start3A_325 = arith.constant 0 : i32
      %dma_start3A_326 = tpu.memref_slice %arg4[%add3A_318, %dma_start3A_325] : memref<819200x128xf32, #tpu.memory_space<hbm>> -> memref<128x128xf32, #tpu.memory_space<hbm>>
      %dma_start3A_327 = tpu.memref_slice %arg9[%dma_start3A_320] : memref<4x!tpu.dma_semaphore, #tpu.memory_space<semaphore_mem>> -> memref<1x!tpu.dma_semaphore, #tpu.memory_space<semaphore_mem>>
      %dma_start3A_328 = tpu.memref_squeeze %dma_start3A_327 : memref<1x!tpu.dma_semaphore, #tpu.memory_space<semaphore_mem>> -> memref<!tpu.dma_semaphore, #tpu.memory_space<semaphore_mem>>
      %dma_start3A_329 = arith.constant 0 : i32
      %dma_start3A_330 = tpu.memref_slice %arg4[%add3A_318, %dma_start3A_329] : memref<819200x128xf32, #tpu.memory_space<hbm>> -> memref<128x128xf32, #tpu.memory_space<hbm>>
      %dma_start3A_331 = arith.constant 0 : i32
      %dma_start3A_332 = arith.constant 0 : i32
      %dma_start3A_333 = tpu.memref_slice %arg7[%dma_start3A_319, %dma_start3A_331, %dma_start3A_332] : memref<4x128x128xf32, #tpu.memory_space<vmem>> -> memref<1x128x128xf32, #tpu.memory_space<vmem>>
      %dma_start3A_334 = tpu.memref_squeeze %dma_start3A_333 : memref<1x128x128xf32, #tpu.memory_space<vmem>> -> memref<128x128xf32, #tpu.memory_space<vmem>>
      tpu.enqueue_dma source(%dma_start3A_334 : memref<128x128xf32, #tpu.memory_space<vmem>>) target(%dma_start3A_330 : memref<128x128xf32, #tpu.memory_space<hbm>>) target_semaphore(%dma_start3A_328 : memref<!tpu.dma_semaphore, #tpu.memory_space<semaphore_mem>>)
      %mul3A_335 = arith.constant 128 : i32
      %mul3A_336 = arith.muli %add3A_299, %mul3A_335 : i32
      %add3A_337 = arith.addi %mul3A_2, %mul3A_336 : i32
      %dma_wait3A_338 = arith.constant 0 : i32
      %dma_wait3A_339 = arith.constant 0 : i32
      %dma_wait3A_340 = arith.constant 0 : i32
      %dma_wait3A_341 = arith.constant 0 : i32
      %dma_wait3A_342 = tpu.memref_slice %arg7[%dma_wait3A_338, %dma_wait3A_340, %dma_wait3A_341] : memref<4x128x128xf32, #tpu.memory_space<vmem>> -> memref<1x128x128xf32, #tpu.memory_space<vmem>>
      %dma_wait3A_343 = tpu.memref_squeeze %dma_wait3A_342 : memref<1x128x128xf32, #tpu.memory_space<vmem>> -> memref<128x128xf32, #tpu.memory_space<vmem>>
      %dma_wait3A_344 = arith.constant 0 : i32
      %dma_wait3A_345 = tpu.memref_slice %arg4[%add3A_337, %dma_wait3A_344] : memref<819200x128xf32, #tpu.memory_space<hbm>> -> memref<128x128xf32, #tpu.memory_space<hbm>>
      %dma_wait3A_346 = tpu.memref_slice %arg9[%dma_wait3A_339] : memref<4x!tpu.dma_semaphore, #tpu.memory_space<semaphore_mem>> -> memref<1x!tpu.dma_semaphore, #tpu.memory_space<semaphore_mem>>
      %dma_wait3A_347 = tpu.memref_squeeze %dma_wait3A_346 : memref<1x!tpu.dma_semaphore, #tpu.memory_space<semaphore_mem>> -> memref<!tpu.dma_semaphore, #tpu.memory_space<semaphore_mem>>
      %dma_wait3A_348 = arith.constant 0 : i32
      %dma_wait3A_349 = tpu.memref_slice %arg4[%add3A_337, %dma_wait3A_348] : memref<819200x128xf32, #tpu.memory_space<hbm>> -> memref<128x128xf32, #tpu.memory_space<hbm>>
      %dma_wait3A_350 = arith.constant 0 : i32
      %dma_wait3A_351 = arith.constant 0 : i32
      %dma_wait3A_352 = tpu.memref_slice %arg7[%dma_wait3A_338, %dma_wait3A_350, %dma_wait3A_351] : memref<4x128x128xf32, #tpu.memory_space<vmem>> -> memref<1x128x128xf32, #tpu.memory_space<vmem>>
      %dma_wait3A_353 = tpu.memref_squeeze %dma_wait3A_352 : memref<1x128x128xf32, #tpu.memory_space<vmem>> -> memref<128x128xf32, #tpu.memory_space<vmem>>
      tpu.wait_dma2 semaphore(%dma_wait3A_347 : memref<!tpu.dma_semaphore, #tpu.memory_space<semaphore_mem>>) src(%dma_wait3A_353 : memref<128x128xf32, #tpu.memory_space<vmem>>) dst(%dma_wait3A_349 : memref<128x128xf32, #tpu.memory_space<hbm>>)
      %add3A_354 = arith.constant 4 : i32
      %add3A_355 = arith.addi %add3A_299, %add3A_354 : i32
      %mul3A_356 = arith.constant 1 : i32
      %mul3A_357 = arith.muli %mul3A_356, %add3A_355 : i32
      %add3A_358 = arith.constant 0 : i32
      %add3A_359 = arith.addi %mul3A_357, %add3A_358 : i32
      %dma_start3A_360 = arith.constant 0 : i32
      %dma_start3A_361 = arith.constant 0 : i32
      %dma_start3A_362 = arith.constant 0 : i32
      %dma_start3A_363 = arith.constant 0 : i32
      %dma_start3A_364 = tpu.memref_slice %arg7[%dma_start3A_360, %dma_start3A_362, %dma_start3A_363] : memref<4x128x128xf32, #tpu.memory_space<vmem>> -> memref<1x128x128xf32, #tpu.memory_space<vmem>>
      %dma_start3A_365 = tpu.memref_squeeze %dma_start3A_364 : memref<1x128x128xf32, #tpu.memory_space<vmem>> -> memref<128x128xf32, #tpu.memory_space<vmem>>
      %dma_start3A_366 = arith.constant 0 : i32
      %dma_start3A_367 = arith.constant 0 : i32
      %dma_start3A_368 = tpu.memref_slice %dma_start3A_365[%dma_start3A_366, %dma_start3A_367] : memref<128x128xf32, #tpu.memory_space<vmem>> -> memref<128x128xf32, #tpu.memory_space<vmem>>
      %dma_start3A_369 = arith.constant 0 : i32
      %dma_start3A_370 = tpu.memref_slice %arg6[%add3A_359, %dma_start3A_369] : memref<200x128xi32, #tpu.memory_space<vmem>> -> memref<1x128xi32, #tpu.memory_space<vmem>>
      %dma_start3A_371 = tpu.memref_squeeze %dma_start3A_370 : memref<1x128xi32, #tpu.memory_space<vmem>> -> memref<128xi32, #tpu.memory_space<vmem>>
      %dma_start3A_372 = arith.constant 0 : i32
      %dma_start3A_373 = arith.constant 0 : i32
      %dma_start3A_374 = tpu.memref_slice %arg5[%dma_start3A_372, %dma_start3A_373] : memref<1000x128xf32, #tpu.memory_space<vmem_shared>> -> memref<1000x128xf32, #tpu.memory_space<vmem_shared>>
      %dma_start3A_375 = tpu.memref_slice %arg8[%dma_start3A_361] : memref<4x!tpu.dma_semaphore, #tpu.memory_space<semaphore_mem>> -> memref<1x!tpu.dma_semaphore, #tpu.memory_space<semaphore_mem>>
      %dma_start3A_376 = tpu.memref_squeeze %dma_start3A_375 : memref<1x!tpu.dma_semaphore, #tpu.memory_space<semaphore_mem>> -> memref<!tpu.dma_semaphore, #tpu.memory_space<semaphore_mem>>
      tpu.enqueue_indirect_dma source(%dma_start3A_374 : memref<1000x128xf32, #tpu.memory_space<vmem_shared>>) target(%dma_start3A_368 : memref<128x128xf32, #tpu.memory_space<vmem>>) offsets(%dma_start3A_371 : memref<128xi32, #tpu.memory_space<vmem>>) semaphore(%dma_start3A_376 : memref<!tpu.dma_semaphore, #tpu.memory_space<semaphore_mem>>)
      %add3A_377 = arith.constant 1 : i32
      %add3A_378 = arith.addi %mul3A_297, %add3A_377 : i32
      %dma_wait3A_379 = arith.constant 1 : i32
      %dma_wait3A_380 = arith.constant 1 : i32
      %dma_wait3A_381 = arith.constant 0 : i32
      %dma_wait3A_382 = arith.constant 0 : i32
      %dma_wait3A_383 = tpu.memref_slice %arg7[%dma_wait3A_379, %dma_wait3A_381, %dma_wait3A_382] : memref<4x128x128xf32, #tpu.memory_space<vmem>> -> memref<1x128x128xf32, #tpu.memory_space<vmem>>
      %dma_wait3A_384 = tpu.memref_squeeze %dma_wait3A_383 : memref<1x128x128xf32, #tpu.memory_space<vmem>> -> memref<128x128xf32, #tpu.memory_space<vmem>>
      %dma_wait3A_385 = arith.constant 0 : i32
      %dma_wait3A_386 = tpu.memref_slice %arg4[%mul3A_2, %dma_wait3A_385] : memref<819200x128xf32, #tpu.memory_space<hbm>> -> memref<128x128xf32, #tpu.memory_space<hbm>>
      %dma_wait3A_387 = tpu.memref_slice %arg8[%dma_wait3A_380] : memref<4x!tpu.dma_semaphore, #tpu.memory_space<semaphore_mem>> -> memref<1x!tpu.dma_semaphore, #tpu.memory_space<semaphore_mem>>
      %dma_wait3A_388 = tpu.memref_squeeze %dma_wait3A_387 : memref<1x!tpu.dma_semaphore, #tpu.memory_space<semaphore_mem>> -> memref<!tpu.dma_semaphore, #tpu.memory_space<semaphore_mem>>
      %dma_wait3A_389 = arith.constant 0 : i32
      %dma_wait3A_390 = arith.constant 0 : i32
      %dma_wait3A_391 = tpu.memref_slice %arg7[%dma_wait3A_379, %dma_wait3A_389, %dma_wait3A_390] : memref<4x128x128xf32, #tpu.memory_space<vmem>> -> memref<1x128x128xf32, #tpu.memory_space<vmem>>
      %dma_wait3A_392 = tpu.memref_squeeze %dma_wait3A_391 : memref<1x128x128xf32, #tpu.memory_space<vmem>> -> memref<128x128xf32, #tpu.memory_space<vmem>>
      %dma_wait3A_393 = arith.constant 0 : i32
      %dma_wait3A_394 = tpu.memref_slice %arg4[%mul3A_2, %dma_wait3A_393] : memref<819200x128xf32, #tpu.memory_space<hbm>> -> memref<128x128xf32, #tpu.memory_space<hbm>>
      tpu.wait_dma2 semaphore(%dma_wait3A_388 : memref<!tpu.dma_semaphore, #tpu.memory_space<semaphore_mem>>) src(%dma_wait3A_394 : memref<128x128xf32, #tpu.memory_space<hbm>>) dst(%dma_wait3A_392 : memref<128x128xf32, #tpu.memory_space<vmem>>)
      %mul3A_395 = arith.constant 128 : i32
      %mul3A_396 = arith.muli %add3A_378, %mul3A_395 : i32
      %add3A_397 = arith.addi %mul3A_2, %mul3A_396 : i32
      %dma_start3A_398 = arith.constant 1 : i32
      %dma_start3A_399 = arith.constant 1 : i32
      %dma_start3A_400 = arith.constant 0 : i32
      %dma_start3A_401 = arith.constant 0 : i32
      %dma_start3A_402 = tpu.memref_slice %arg7[%dma_start3A_398, %dma_start3A_400, %dma_start3A_401] : memref<4x128x128xf32, #tpu.memory_space<vmem>> -> memref<1x128x128xf32, #tpu.memory_space<vmem>>
      %dma_start3A_403 = tpu.memref_squeeze %dma_start3A_402 : memref<1x128x128xf32, #tpu.memory_space<vmem>> -> memref<128x128xf32, #tpu.memory_space<vmem>>
      %dma_start3A_404 = arith.constant 0 : i32
      %dma_start3A_405 = tpu.memref_slice %arg4[%add3A_397, %dma_start3A_404] : memref<819200x128xf32, #tpu.memory_space<hbm>> -> memref<128x128xf32, #tpu.memory_space<hbm>>
      %dma_start3A_406 = tpu.memref_slice %arg9[%dma_start3A_399] : memref<4x!tpu.dma_semaphore, #tpu.memory_space<semaphore_mem>> -> memref<1x!tpu.dma_semaphore, #tpu.memory_space<semaphore_mem>>
      %dma_start3A_407 = tpu.memref_squeeze %dma_start3A_406 : memref<1x!tpu.dma_semaphore, #tpu.memory_space<semaphore_mem>> -> memref<!tpu.dma_semaphore, #tpu.memory_space<semaphore_mem>>
      %dma_start3A_408 = arith.constant 0 : i32
      %dma_start3A_409 = tpu.memref_slice %arg4[%add3A_397, %dma_start3A_408] : memref<819200x128xf32, #tpu.memory_space<hbm>> -> memref<128x128xf32, #tpu.memory_space<hbm>>
      %dma_start3A_410 = arith.constant 0 : i32
      %dma_start3A_411 = arith.constant 0 : i32
      %dma_start3A_412 = tpu.memref_slice %arg7[%dma_start3A_398, %dma_start3A_410, %dma_start3A_411] : memref<4x128x128xf32, #tpu.memory_space<vmem>> -> memref<1x128x128xf32, #tpu.memory_space<vmem>>
      %dma_start3A_413 = tpu.memref_squeeze %dma_start3A_412 : memref<1x128x128xf32, #tpu.memory_space<vmem>> -> memref<128x128xf32, #tpu.memory_space<vmem>>
      tpu.enqueue_dma source(%dma_start3A_413 : memref<128x128xf32, #tpu.memory_space<vmem>>) target(%dma_start3A_409 : memref<128x128xf32, #tpu.memory_space<hbm>>) target_semaphore(%dma_start3A_407 : memref<!tpu.dma_semaphore, #tpu.memory_space<semaphore_mem>>)
      %mul3A_414 = arith.constant 128 : i32
      %mul3A_415 = arith.muli %add3A_378, %mul3A_414 : i32
      %add3A_416 = arith.addi %mul3A_2, %mul3A_415 : i32
      %dma_wait3A_417 = arith.constant 1 : i32
      %dma_wait3A_418 = arith.constant 1 : i32
      %dma_wait3A_419 = arith.constant 0 : i32
      %dma_wait3A_420 = arith.constant 0 : i32
      %dma_wait3A_421 = tpu.memref_slice %arg7[%dma_wait3A_417, %dma_wait3A_419, %dma_wait3A_420] : memref<4x128x128xf32, #tpu.memory_space<vmem>> -> memref<1x128x128xf32, #tpu.memory_space<vmem>>
      %dma_wait3A_422 = tpu.memref_squeeze %dma_wait3A_421 : memref<1x128x128xf32, #tpu.memory_space<vmem>> -> memref<128x128xf32, #tpu.memory_space<vmem>>
      %dma_wait3A_423 = arith.constant 0 : i32
      %dma_wait3A_424 = tpu.memref_slice %arg4[%add3A_416, %dma_wait3A_423] : memref<819200x128xf32, #tpu.memory_space<hbm>> -> memref<128x128xf32, #tpu.memory_space<hbm>>
      %dma_wait3A_425 = tpu.memref_slice %arg9[%dma_wait3A_418] : memref<4x!tpu.dma_semaphore, #tpu.memory_space<semaphore_mem>> -> memref<1x!tpu.dma_semaphore, #tpu.memory_space<semaphore_mem>>
      %dma_wait3A_426 = tpu.memref_squeeze %dma_wait3A_425 : memref<1x!tpu.dma_semaphore, #tpu.memory_space<semaphore_mem>> -> memref<!tpu.dma_semaphore, #tpu.memory_space<semaphore_mem>>
      %dma_wait3A_427 = arith.constant 0 : i32
      %dma_wait3A_428 = tpu.memref_slice %arg4[%add3A_416, %dma_wait3A_427] : memref<819200x128xf32, #tpu.memory_space<hbm>> -> memref<128x128xf32, #tpu.memory_space<hbm>>
      %dma_wait3A_429 = arith.constant 0 : i32
      %dma_wait3A_430 = arith.constant 0 : i32
      %dma_wait3A_431 = tpu.memref_slice %arg7[%dma_wait3A_417, %dma_wait3A_429, %dma_wait3A_430] : memref<4x128x128xf32, #tpu.memory_space<vmem>> -> memref<1x128x128xf32, #tpu.memory_space<vmem>>
      %dma_wait3A_432 = tpu.memref_squeeze %dma_wait3A_431 : memref<1x128x128xf32, #tpu.memory_space<vmem>> -> memref<128x128xf32, #tpu.memory_space<vmem>>
      tpu.wait_dma2 semaphore(%dma_wait3A_426 : memref<!tpu.dma_semaphore, #tpu.memory_space<semaphore_mem>>) src(%dma_wait3A_432 : memref<128x128xf32, #tpu.memory_space<vmem>>) dst(%dma_wait3A_428 : memref<128x128xf32, #tpu.memory_space<hbm>>)
      %add3A_433 = arith.constant 4 : i32
      %add3A_434 = arith.addi %add3A_378, %add3A_433 : i32
      %mul3A_435 = arith.constant 1 : i32
      %mul3A_436 = arith.muli %mul3A_435, %add3A_434 : i32
      %add3A_437 = arith.constant 0 : i32
      %add3A_438 = arith.addi %mul3A_436, %add3A_437 : i32
      %dma_start3A_439 = arith.constant 1 : i32
      %dma_start3A_440 = arith.constant 1 : i32
      %dma_start3A_441 = arith.constant 0 : i32
      %dma_start3A_442 = arith.constant 0 : i32
      %dma_start3A_443 = tpu.memref_slice %arg7[%dma_start3A_439, %dma_start3A_441, %dma_start3A_442] : memref<4x128x128xf32, #tpu.memory_space<vmem>> -> memref<1x128x128xf32, #tpu.memory_space<vmem>>
      %dma_start3A_444 = tpu.memref_squeeze %dma_start3A_443 : memref<1x128x128xf32, #tpu.memory_space<vmem>> -> memref<128x128xf32, #tpu.memory_space<vmem>>
      %dma_start3A_445 = arith.constant 0 : i32
      %dma_start3A_446 = arith.constant 0 : i32
      %dma_start3A_447 = tpu.memref_slice %dma_start3A_444[%dma_start3A_445, %dma_start3A_446] : memref<128x128xf32, #tpu.memory_space<vmem>> -> memref<128x128xf32, #tpu.memory_space<vmem>>
      %dma_start3A_448 = arith.constant 0 : i32
      %dma_start3A_449 = tpu.memref_slice %arg6[%add3A_438, %dma_start3A_448] : memref<200x128xi32, #tpu.memory_space<vmem>> -> memref<1x128xi32, #tpu.memory_space<vmem>>
      %dma_start3A_450 = tpu.memref_squeeze %dma_start3A_449 : memref<1x128xi32, #tpu.memory_space<vmem>> -> memref<128xi32, #tpu.memory_space<vmem>>
      %dma_start3A_451 = arith.constant 0 : i32
      %dma_start3A_452 = arith.constant 0 : i32
      %dma_start3A_453 = tpu.memref_slice %arg5[%dma_start3A_451, %dma_start3A_452] : memref<1000x128xf32, #tpu.memory_space<vmem_shared>> -> memref<1000x128xf32, #tpu.memory_space<vmem_shared>>
      %dma_start3A_454 = tpu.memref_slice %arg8[%dma_start3A_440] : memref<4x!tpu.dma_semaphore, #tpu.memory_space<semaphore_mem>> -> memref<1x!tpu.dma_semaphore, #tpu.memory_space<semaphore_mem>>
      %dma_start3A_455 = tpu.memref_squeeze %dma_start3A_454 : memref<1x!tpu.dma_semaphore, #tpu.memory_space<semaphore_mem>> -> memref<!tpu.dma_semaphore, #tpu.memory_space<semaphore_mem>>
      tpu.enqueue_indirect_dma source(%dma_start3A_453 : memref<1000x128xf32, #tpu.memory_space<vmem_shared>>) target(%dma_start3A_447 : memref<128x128xf32, #tpu.memory_space<vmem>>) offsets(%dma_start3A_450 : memref<128xi32, #tpu.memory_space<vmem>>) semaphore(%dma_start3A_455 : memref<!tpu.dma_semaphore, #tpu.memory_space<semaphore_mem>>)
      %add3A_456 = arith.constant 2 : i32
      %add3A_457 = arith.addi %mul3A_297, %add3A_456 : i32
      %dma_wait3A_458 = arith.constant 2 : i32
      %dma_wait3A_459 = arith.constant 2 : i32
      %dma_wait3A_460 = arith.constant 0 : i32
      %dma_wait3A_461 = arith.constant 0 : i32
      %dma_wait3A_462 = tpu.memref_slice %arg7[%dma_wait3A_458, %dma_wait3A_460, %dma_wait3A_461] : memref<4x128x128xf32, #tpu.memory_space<vmem>> -> memref<1x128x128xf32, #tpu.memory_space<vmem>>
      %dma_wait3A_463 = tpu.memref_squeeze %dma_wait3A_462 : memref<1x128x128xf32, #tpu.memory_space<vmem>> -> memref<128x128xf32, #tpu.memory_space<vmem>>
      %dma_wait3A_464 = arith.constant 0 : i32
      %dma_wait3A_465 = tpu.memref_slice %arg4[%mul3A_2, %dma_wait3A_464] : memref<819200x128xf32, #tpu.memory_space<hbm>> -> memref<128x128xf32, #tpu.memory_space<hbm>>
      %dma_wait3A_466 = tpu.memref_slice %arg8[%dma_wait3A_459] : memref<4x!tpu.dma_semaphore, #tpu.memory_space<semaphore_mem>> -> memref<1x!tpu.dma_semaphore, #tpu.memory_space<semaphore_mem>>
      %dma_wait3A_467 = tpu.memref_squeeze %dma_wait3A_466 : memref<1x!tpu.dma_semaphore, #tpu.memory_space<semaphore_mem>> -> memref<!tpu.dma_semaphore, #tpu.memory_space<semaphore_mem>>
      %dma_wait3A_468 = arith.constant 0 : i32
      %dma_wait3A_469 = arith.constant 0 : i32
      %dma_wait3A_470 = tpu.memref_slice %arg7[%dma_wait3A_458, %dma_wait3A_468, %dma_wait3A_469] : memref<4x128x128xf32, #tpu.memory_space<vmem>> -> memref<1x128x128xf32, #tpu.memory_space<vmem>>
      %dma_wait3A_471 = tpu.memref_squeeze %dma_wait3A_470 : memref<1x128x128xf32, #tpu.memory_space<vmem>> -> memref<128x128xf32, #tpu.memory_space<vmem>>
      %dma_wait3A_472 = arith.constant 0 : i32
      %dma_wait3A_473 = tpu.memref_slice %arg4[%mul3A_2, %dma_wait3A_472] : memref<819200x128xf32, #tpu.memory_space<hbm>> -> memref<128x128xf32, #tpu.memory_space<hbm>>
      tpu.wait_dma2 semaphore(%dma_wait3A_467 : memref<!tpu.dma_semaphore, #tpu.memory_space<semaphore_mem>>) src(%dma_wait3A_473 : memref<128x128xf32, #tpu.memory_space<hbm>>) dst(%dma_wait3A_471 : memref<128x128xf32, #tpu.memory_space<vmem>>)
      %mul3A_474 = arith.constant 128 : i32
      %mul3A_475 = arith.muli %add3A_457, %mul3A_474 : i32
      %add3A_476 = arith.addi %mul3A_2, %mul3A_475 : i32
      %dma_start3A_477 = arith.constant 2 : i32
      %dma_start3A_478 = arith.constant 2 : i32
      %dma_start3A_479 = arith.constant 0 : i32
      %dma_start3A_480 = arith.constant 0 : i32
      %dma_start3A_481 = tpu.memref_slice %arg7[%dma_start3A_477, %dma_start3A_479, %dma_start3A_480] : memref<4x128x128xf32, #tpu.memory_space<vmem>> -> memref<1x128x128xf32, #tpu.memory_space<vmem>>
      %dma_start3A_482 = tpu.memref_squeeze %dma_start3A_481 : memref<1x128x128xf32, #tpu.memory_space<vmem>> -> memref<128x128xf32, #tpu.memory_space<vmem>>
      %dma_start3A_483 = arith.constant 0 : i32
      %dma_start3A_484 = tpu.memref_slice %arg4[%add3A_476, %dma_start3A_483] : memref<819200x128xf32, #tpu.memory_space<hbm>> -> memref<128x128xf32, #tpu.memory_space<hbm>>
      %dma_start3A_485 = tpu.memref_slice %arg9[%dma_start3A_478] : memref<4x!tpu.dma_semaphore, #tpu.memory_space<semaphore_mem>> -> memref<1x!tpu.dma_semaphore, #tpu.memory_space<semaphore_mem>>
      %dma_start3A_486 = tpu.memref_squeeze %dma_start3A_485 : memref<1x!tpu.dma_semaphore, #tpu.memory_space<semaphore_mem>> -> memref<!tpu.dma_semaphore, #tpu.memory_space<semaphore_mem>>
      %dma_start3A_487 = arith.constant 0 : i32
      %dma_start3A_488 = tpu.memref_slice %arg4[%add3A_476, %dma_start3A_487] : memref<819200x128xf32, #tpu.memory_space<hbm>> -> memref<128x128xf32, #tpu.memory_space<hbm>>
      %dma_start3A_489 = arith.constant 0 : i32
      %dma_start3A_490 = arith.constant 0 : i32
      %dma_start3A_491 = tpu.memref_slice %arg7[%dma_start3A_477, %dma_start3A_489, %dma_start3A_490] : memref<4x128x128xf32, #tpu.memory_space<vmem>> -> memref<1x128x128xf32, #tpu.memory_space<vmem>>
      %dma_start3A_492 = tpu.memref_squeeze %dma_start3A_491 : memref<1x128x128xf32, #tpu.memory_space<vmem>> -> memref<128x128xf32, #tpu.memory_space<vmem>>
      tpu.enqueue_dma source(%dma_start3A_492 : memref<128x128xf32, #tpu.memory_space<vmem>>) target(%dma_start3A_488 : memref<128x128xf32, #tpu.memory_space<hbm>>) target_semaphore(%dma_start3A_486 : memref<!tpu.dma_semaphore, #tpu.memory_space<semaphore_mem>>)
      %mul3A_493 = arith.constant 128 : i32
      %mul3A_494 = arith.muli %add3A_457, %mul3A_493 : i32
      %add3A_495 = arith.addi %mul3A_2, %mul3A_494 : i32
      %dma_wait3A_496 = arith.constant 2 : i32
      %dma_wait3A_497 = arith.constant 2 : i32
      %dma_wait3A_498 = arith.constant 0 : i32
      %dma_wait3A_499 = arith.constant 0 : i32
      %dma_wait3A_500 = tpu.memref_slice %arg7[%dma_wait3A_496, %dma_wait3A_498, %dma_wait3A_499] : memref<4x128x128xf32, #tpu.memory_space<vmem>> -> memref<1x128x128xf32, #tpu.memory_space<vmem>>
      %dma_wait3A_501 = tpu.memref_squeeze %dma_wait3A_500 : memref<1x128x128xf32, #tpu.memory_space<vmem>> -> memref<128x128xf32, #tpu.memory_space<vmem>>
      %dma_wait3A_502 = arith.constant 0 : i32
      %dma_wait3A_503 = tpu.memref_slice %arg4[%add3A_495, %dma_wait3A_502] : memref<819200x128xf32, #tpu.memory_space<hbm>> -> memref<128x128xf32, #tpu.memory_space<hbm>>
      %dma_wait3A_504 = tpu.memref_slice %arg9[%dma_wait3A_497] : memref<4x!tpu.dma_semaphore, #tpu.memory_space<semaphore_mem>> -> memref<1x!tpu.dma_semaphore, #tpu.memory_space<semaphore_mem>>
      %dma_wait3A_505 = tpu.memref_squeeze %dma_wait3A_504 : memref<1x!tpu.dma_semaphore, #tpu.memory_space<semaphore_mem>> -> memref<!tpu.dma_semaphore, #tpu.memory_space<semaphore_mem>>
      %dma_wait3A_506 = arith.constant 0 : i32
      %dma_wait3A_507 = tpu.memref_slice %arg4[%add3A_495, %dma_wait3A_506] : memref<819200x128xf32, #tpu.memory_space<hbm>> -> memref<128x128xf32, #tpu.memory_space<hbm>>
      %dma_wait3A_508 = arith.constant 0 : i32
      %dma_wait3A_509 = arith.constant 0 : i32
      %dma_wait3A_510 = tpu.memref_slice %arg7[%dma_wait3A_496, %dma_wait3A_508, %dma_wait3A_509] : memref<4x128x128xf32, #tpu.memory_space<vmem>> -> memref<1x128x128xf32, #tpu.memory_space<vmem>>
      %dma_wait3A_511 = tpu.memref_squeeze %dma_wait3A_510 : memref<1x128x128xf32, #tpu.memory_space<vmem>> -> memref<128x128xf32, #tpu.memory_space<vmem>>
      tpu.wait_dma2 semaphore(%dma_wait3A_505 : memref<!tpu.dma_semaphore, #tpu.memory_space<semaphore_mem>>) src(%dma_wait3A_511 : memref<128x128xf32, #tpu.memory_space<vmem>>) dst(%dma_wait3A_507 : memref<128x128xf32, #tpu.memory_space<hbm>>)
      %add3A_512 = arith.constant 4 : i32
      %add3A_513 = arith.addi %add3A_457, %add3A_512 : i32
      %mul3A_514 = arith.constant 1 : i32
      %mul3A_515 = arith.muli %mul3A_514, %add3A_513 : i32
      %add3A_516 = arith.constant 0 : i32
      %add3A_517 = arith.addi %mul3A_515, %add3A_516 : i32
      %dma_start3A_518 = arith.constant 2 : i32
      %dma_start3A_519 = arith.constant 2 : i32
      %dma_start3A_520 = arith.constant 0 : i32
      %dma_start3A_521 = arith.constant 0 : i32
      %dma_start3A_522 = tpu.memref_slice %arg7[%dma_start3A_518, %dma_start3A_520, %dma_start3A_521] : memref<4x128x128xf32, #tpu.memory_space<vmem>> -> memref<1x128x128xf32, #tpu.memory_space<vmem>>
      %dma_start3A_523 = tpu.memref_squeeze %dma_start3A_522 : memref<1x128x128xf32, #tpu.memory_space<vmem>> -> memref<128x128xf32, #tpu.memory_space<vmem>>
      %dma_start3A_524 = arith.constant 0 : i32
      %dma_start3A_525 = arith.constant 0 : i32
      %dma_start3A_526 = tpu.memref_slice %dma_start3A_523[%dma_start3A_524, %dma_start3A_525] : memref<128x128xf32, #tpu.memory_space<vmem>> -> memref<128x128xf32, #tpu.memory_space<vmem>>
      %dma_start3A_527 = arith.constant 0 : i32
      %dma_start3A_528 = tpu.memref_slice %arg6[%add3A_517, %dma_start3A_527] : memref<200x128xi32, #tpu.memory_space<vmem>> -> memref<1x128xi32, #tpu.memory_space<vmem>>
      %dma_start3A_529 = tpu.memref_squeeze %dma_start3A_528 : memref<1x128xi32, #tpu.memory_space<vmem>> -> memref<128xi32, #tpu.memory_space<vmem>>
      %dma_start3A_530 = arith.constant 0 : i32
      %dma_start3A_531 = arith.constant 0 : i32
      %dma_start3A_532 = tpu.memref_slice %arg5[%dma_start3A_530, %dma_start3A_531] : memref<1000x128xf32, #tpu.memory_space<vmem_shared>> -> memref<1000x128xf32, #tpu.memory_space<vmem_shared>>
      %dma_start3A_533 = tpu.memref_slice %arg8[%dma_start3A_519] : memref<4x!tpu.dma_semaphore, #tpu.memory_space<semaphore_mem>> -> memref<1x!tpu.dma_semaphore, #tpu.memory_space<semaphore_mem>>
      %dma_start3A_534 = tpu.memref_squeeze %dma_start3A_533 : memref<1x!tpu.dma_semaphore, #tpu.memory_space<semaphore_mem>> -> memref<!tpu.dma_semaphore, #tpu.memory_space<semaphore_mem>>
      tpu.enqueue_indirect_dma source(%dma_start3A_532 : memref<1000x128xf32, #tpu.memory_space<vmem_shared>>) target(%dma_start3A_526 : memref<128x128xf32, #tpu.memory_space<vmem>>) offsets(%dma_start3A_529 : memref<128xi32, #tpu.memory_space<vmem>>) semaphore(%dma_start3A_534 : memref<!tpu.dma_semaphore, #tpu.memory_space<semaphore_mem>>)
      %add3A_535 = arith.constant 3 : i32
      %add3A_536 = arith.addi %mul3A_297, %add3A_535 : i32
      %dma_wait3A_537 = arith.constant 3 : i32
      %dma_wait3A_538 = arith.constant 3 : i32
      %dma_wait3A_539 = arith.constant 0 : i32
      %dma_wait3A_540 = arith.constant 0 : i32
      %dma_wait3A_541 = tpu.memref_slice %arg7[%dma_wait3A_537, %dma_wait3A_539, %dma_wait3A_540] : memref<4x128x128xf32, #tpu.memory_space<vmem>> -> memref<1x128x128xf32, #tpu.memory_space<vmem>>
      %dma_wait3A_542 = tpu.memref_squeeze %dma_wait3A_541 : memref<1x128x128xf32, #tpu.memory_space<vmem>> -> memref<128x128xf32, #tpu.memory_space<vmem>>
      %dma_wait3A_543 = arith.constant 0 : i32
      %dma_wait3A_544 = tpu.memref_slice %arg4[%mul3A_2, %dma_wait3A_543] : memref<819200x128xf32, #tpu.memory_space<hbm>> -> memref<128x128xf32, #tpu.memory_space<hbm>>
      %dma_wait3A_545 = tpu.memref_slice %arg8[%dma_wait3A_538] : memref<4x!tpu.dma_semaphore, #tpu.memory_space<semaphore_mem>> -> memref<1x!tpu.dma_semaphore, #tpu.memory_space<semaphore_mem>>
      %dma_wait3A_546 = tpu.memref_squeeze %dma_wait3A_545 : memref<1x!tpu.dma_semaphore, #tpu.memory_space<semaphore_mem>> -> memref<!tpu.dma_semaphore, #tpu.memory_space<semaphore_mem>>
      %dma_wait3A_547 = arith.constant 0 : i32
      %dma_wait3A_548 = arith.constant 0 : i32
      %dma_wait3A_549 = tpu.memref_slice %arg7[%dma_wait3A_537, %dma_wait3A_547, %dma_wait3A_548] : memref<4x128x128xf32, #tpu.memory_space<vmem>> -> memref<1x128x128xf32, #tpu.memory_space<vmem>>
      %dma_wait3A_550 = tpu.memref_squeeze %dma_wait3A_549 : memref<1x128x128xf32, #tpu.memory_space<vmem>> -> memref<128x128xf32, #tpu.memory_space<vmem>>
      %dma_wait3A_551 = arith.constant 0 : i32
      %dma_wait3A_552 = tpu.memref_slice %arg4[%mul3A_2, %dma_wait3A_551] : memref<819200x128xf32, #tpu.memory_space<hbm>> -> memref<128x128xf32, #tpu.memory_space<hbm>>
      tpu.wait_dma2 semaphore(%dma_wait3A_546 : memref<!tpu.dma_semaphore, #tpu.memory_space<semaphore_mem>>) src(%dma_wait3A_552 : memref<128x128xf32, #tpu.memory_space<hbm>>) dst(%dma_wait3A_550 : memref<128x128xf32, #tpu.memory_space<vmem>>)
      %mul3A_553 = arith.constant 128 : i32
      %mul3A_554 = arith.muli %add3A_536, %mul3A_553 : i32
      %add3A_555 = arith.addi %mul3A_2, %mul3A_554 : i32
      %dma_start3A_556 = arith.constant 3 : i32
      %dma_start3A_557 = arith.constant 3 : i32
      %dma_start3A_558 = arith.constant 0 : i32
      %dma_start3A_559 = arith.constant 0 : i32
      %dma_start3A_560 = tpu.memref_slice %arg7[%dma_start3A_556, %dma_start3A_558, %dma_start3A_559] : memref<4x128x128xf32, #tpu.memory_space<vmem>> -> memref<1x128x128xf32, #tpu.memory_space<vmem>>
      %dma_start3A_561 = tpu.memref_squeeze %dma_start3A_560 : memref<1x128x128xf32, #tpu.memory_space<vmem>> -> memref<128x128xf32, #tpu.memory_space<vmem>>
      %dma_start3A_562 = arith.constant 0 : i32
      %dma_start3A_563 = tpu.memref_slice %arg4[%add3A_555, %dma_start3A_562] : memref<819200x128xf32, #tpu.memory_space<hbm>> -> memref<128x128xf32, #tpu.memory_space<hbm>>
      %dma_start3A_564 = tpu.memref_slice %arg9[%dma_start3A_557] : memref<4x!tpu.dma_semaphore, #tpu.memory_space<semaphore_mem>> -> memref<1x!tpu.dma_semaphore, #tpu.memory_space<semaphore_mem>>
      %dma_start3A_565 = tpu.memref_squeeze %dma_start3A_564 : memref<1x!tpu.dma_semaphore, #tpu.memory_space<semaphore_mem>> -> memref<!tpu.dma_semaphore, #tpu.memory_space<semaphore_mem>>
      %dma_start3A_566 = arith.constant 0 : i32
      %dma_start3A_567 = tpu.memref_slice %arg4[%add3A_555, %dma_start3A_566] : memref<819200x128xf32, #tpu.memory_space<hbm>> -> memref<128x128xf32, #tpu.memory_space<hbm>>
      %dma_start3A_568 = arith.constant 0 : i32
      %dma_start3A_569 = arith.constant 0 : i32
      %dma_start3A_570 = tpu.memref_slice %arg7[%dma_start3A_556, %dma_start3A_568, %dma_start3A_569] : memref<4x128x128xf32, #tpu.memory_space<vmem>> -> memref<1x128x128xf32, #tpu.memory_space<vmem>>
      %dma_start3A_571 = tpu.memref_squeeze %dma_start3A_570 : memref<1x128x128xf32, #tpu.memory_space<vmem>> -> memref<128x128xf32, #tpu.memory_space<vmem>>
      tpu.enqueue_dma source(%dma_start3A_571 : memref<128x128xf32, #tpu.memory_space<vmem>>) target(%dma_start3A_567 : memref<128x128xf32, #tpu.memory_space<hbm>>) target_semaphore(%dma_start3A_565 : memref<!tpu.dma_semaphore, #tpu.memory_space<semaphore_mem>>)
      %mul3A_572 = arith.constant 128 : i32
      %mul3A_573 = arith.muli %add3A_536, %mul3A_572 : i32
      %add3A_574 = arith.addi %mul3A_2, %mul3A_573 : i32
      %dma_wait3A_575 = arith.constant 3 : i32
      %dma_wait3A_576 = arith.constant 3 : i32
      %dma_wait3A_577 = arith.constant 0 : i32
      %dma_wait3A_578 = arith.constant 0 : i32
      %dma_wait3A_579 = tpu.memref_slice %arg7[%dma_wait3A_575, %dma_wait3A_577, %dma_wait3A_578] : memref<4x128x128xf32, #tpu.memory_space<vmem>> -> memref<1x128x128xf32, #tpu.memory_space<vmem>>
      %dma_wait3A_580 = tpu.memref_squeeze %dma_wait3A_579 : memref<1x128x128xf32, #tpu.memory_space<vmem>> -> memref<128x128xf32, #tpu.memory_space<vmem>>
      %dma_wait3A_581 = arith.constant 0 : i32
      %dma_wait3A_582 = tpu.memref_slice %arg4[%add3A_574, %dma_wait3A_581] : memref<819200x128xf32, #tpu.memory_space<hbm>> -> memref<128x128xf32, #tpu.memory_space<hbm>>
      %dma_wait3A_583 = tpu.memref_slice %arg9[%dma_wait3A_576] : memref<4x!tpu.dma_semaphore, #tpu.memory_space<semaphore_mem>> -> memref<1x!tpu.dma_semaphore, #tpu.memory_space<semaphore_mem>>
      %dma_wait3A_584 = tpu.memref_squeeze %dma_wait3A_583 : memref<1x!tpu.dma_semaphore, #tpu.memory_space<semaphore_mem>> -> memref<!tpu.dma_semaphore, #tpu.memory_space<semaphore_mem>>
      %dma_wait3A_585 = arith.constant 0 : i32
      %dma_wait3A_586 = tpu.memref_slice %arg4[%add3A_574, %dma_wait3A_585] : memref<819200x128xf32, #tpu.memory_space<hbm>> -> memref<128x128xf32, #tpu.memory_space<hbm>>
      %dma_wait3A_587 = arith.constant 0 : i32
      %dma_wait3A_588 = arith.constant 0 : i32
      %dma_wait3A_589 = tpu.memref_slice %arg7[%dma_wait3A_575, %dma_wait3A_587, %dma_wait3A_588] : memref<4x128x128xf32, #tpu.memory_space<vmem>> -> memref<1x128x128xf32, #tpu.memory_space<vmem>>
      %dma_wait3A_590 = tpu.memref_squeeze %dma_wait3A_589 : memref<1x128x128xf32, #tpu.memory_space<vmem>> -> memref<128x128xf32, #tpu.memory_space<vmem>>
      tpu.wait_dma2 semaphore(%dma_wait3A_584 : memref<!tpu.dma_semaphore, #tpu.memory_space<semaphore_mem>>) src(%dma_wait3A_590 : memref<128x128xf32, #tpu.memory_space<vmem>>) dst(%dma_wait3A_586 : memref<128x128xf32, #tpu.memory_space<hbm>>)
      %add3A_591 = arith.constant 4 : i32
      %add3A_592 = arith.addi %add3A_536, %add3A_591 : i32
      %mul3A_593 = arith.constant 1 : i32
      %mul3A_594 = arith.muli %mul3A_593, %add3A_592 : i32
      %add3A_595 = arith.constant 0 : i32
      %add3A_596 = arith.addi %mul3A_594, %add3A_595 : i32
      %dma_start3A_597 = arith.constant 3 : i32
      %dma_start3A_598 = arith.constant 3 : i32
      %dma_start3A_599 = arith.constant 0 : i32
      %dma_start3A_600 = arith.constant 0 : i32
      %dma_start3A_601 = tpu.memref_slice %arg7[%dma_start3A_597, %dma_start3A_599, %dma_start3A_600] : memref<4x128x128xf32, #tpu.memory_space<vmem>> -> memref<1x128x128xf32, #tpu.memory_space<vmem>>
      %dma_start3A_602 = tpu.memref_squeeze %dma_start3A_601 : memref<1x128x128xf32, #tpu.memory_space<vmem>> -> memref<128x128xf32, #tpu.memory_space<vmem>>
      %dma_start3A_603 = arith.constant 0 : i32
      %dma_start3A_604 = arith.constant 0 : i32
      %dma_start3A_605 = tpu.memref_slice %dma_start3A_602[%dma_start3A_603, %dma_start3A_604] : memref<128x128xf32, #tpu.memory_space<vmem>> -> memref<128x128xf32, #tpu.memory_space<vmem>>
      %dma_start3A_606 = arith.constant 0 : i32
      %dma_start3A_607 = tpu.memref_slice %arg6[%add3A_596, %dma_start3A_606] : memref<200x128xi32, #tpu.memory_space<vmem>> -> memref<1x128xi32, #tpu.memory_space<vmem>>
      %dma_start3A_608 = tpu.memref_squeeze %dma_start3A_607 : memref<1x128xi32, #tpu.memory_space<vmem>> -> memref<128xi32, #tpu.memory_space<vmem>>
      %dma_start3A_609 = arith.constant 0 : i32
      %dma_start3A_610 = arith.constant 0 : i32
      %dma_start3A_611 = tpu.memref_slice %arg5[%dma_start3A_609, %dma_start3A_610] : memref<1000x128xf32, #tpu.memory_space<vmem_shared>> -> memref<1000x128xf32, #tpu.memory_space<vmem_shared>>
      %dma_start3A_612 = tpu.memref_slice %arg8[%dma_start3A_598] : memref<4x!tpu.dma_semaphore, #tpu.memory_space<semaphore_mem>> -> memref<1x!tpu.dma_semaphore, #tpu.memory_space<semaphore_mem>>
      %dma_start3A_613 = tpu.memref_squeeze %dma_start3A_612 : memref<1x!tpu.dma_semaphore, #tpu.memory_space<semaphore_mem>> -> memref<!tpu.dma_semaphore, #tpu.memory_space<semaphore_mem>>
      tpu.enqueue_indirect_dma source(%dma_start3A_611 : memref<1000x128xf32, #tpu.memory_space<vmem_shared>>) target(%dma_start3A_605 : memref<128x128xf32, #tpu.memory_space<vmem>>) offsets(%dma_start3A_608 : memref<128xi32, #tpu.memory_space<vmem>>) semaphore(%dma_start3A_613 : memref<!tpu.dma_semaphore, #tpu.memory_space<semaphore_mem>>)
      %scan3A_614 = arith.constant 0 : i32
      scf.yield %scan3A_614 : i32
    }
    %scan3A_86 = arith.constant 49 : i32
    %dma_wait3A = arith.constant 0 : i32
    %dma_wait3A_87 = arith.constant 0 : i32
    %dma_wait3A_88 = arith.constant 0 : i32
    %dma_wait3A_89 = arith.constant 0 : i32
    %dma_wait3A_90 = tpu.memref_slice %arg7[%dma_wait3A, %dma_wait3A_88, %dma_wait3A_89] : memref<4x128x128xf32, #tpu.memory_space<vmem>> -> memref<1x128x128xf32, #tpu.memory_space<vmem>>
    %dma_wait3A_91 = tpu.memref_squeeze %dma_wait3A_90 : memref<1x128x128xf32, #tpu.memory_space<vmem>> -> memref<128x128xf32, #tpu.memory_space<vmem>>
    %dma_wait3A_92 = arith.constant 0 : i32
    %dma_wait3A_93 = tpu.memref_slice %arg4[%mul3A_2, %dma_wait3A_92] : memref<819200x128xf32, #tpu.memory_space<hbm>> -> memref<128x128xf32, #tpu.memory_space<hbm>>
    %dma_wait3A_94 = tpu.memref_slice %arg8[%dma_wait3A_87] : memref<4x!tpu.dma_semaphore, #tpu.memory_space<semaphore_mem>> -> memref<1x!tpu.dma_semaphore, #tpu.memory_space<semaphore_mem>>
    %dma_wait3A_95 = tpu.memref_squeeze %dma_wait3A_94 : memref<1x!tpu.dma_semaphore, #tpu.memory_space<semaphore_mem>> -> memref<!tpu.dma_semaphore, #tpu.memory_space<semaphore_mem>>
    %dma_wait3A_96 = arith.constant 0 : i32
    %dma_wait3A_97 = arith.constant 0 : i32
    %dma_wait3A_98 = tpu.memref_slice %arg7[%dma_wait3A, %dma_wait3A_96, %dma_wait3A_97] : memref<4x128x128xf32, #tpu.memory_space<vmem>> -> memref<1x128x128xf32, #tpu.memory_space<vmem>>
    %dma_wait3A_99 = tpu.memref_squeeze %dma_wait3A_98 : memref<1x128x128xf32, #tpu.memory_space<vmem>> -> memref<128x128xf32, #tpu.memory_space<vmem>>
    %dma_wait3A_100 = arith.constant 0 : i32
    %dma_wait3A_101 = tpu.memref_slice %arg4[%mul3A_2, %dma_wait3A_100] : memref<819200x128xf32, #tpu.memory_space<hbm>> -> memref<128x128xf32, #tpu.memory_space<hbm>>
    tpu.wait_dma2 semaphore(%dma_wait3A_95 : memref<!tpu.dma_semaphore, #tpu.memory_space<semaphore_mem>>) src(%dma_wait3A_101 : memref<128x128xf32, #tpu.memory_space<hbm>>) dst(%dma_wait3A_99 : memref<128x128xf32, #tpu.memory_space<vmem>>)
    %add3A_102 = arith.constant 25088 : i32
    %add3A_103 = arith.addi %mul3A_2, %add3A_102 : i32
    %dma_start3A_104 = arith.constant 0 : i32
    %dma_start3A_105 = arith.constant 0 : i32
    %dma_start3A_106 = arith.constant 0 : i32
    %dma_start3A_107 = arith.constant 0 : i32
    %dma_start3A_108 = tpu.memref_slice %arg7[%dma_start3A_104, %dma_start3A_106, %dma_start3A_107] : memref<4x128x128xf32, #tpu.memory_space<vmem>> -> memref<1x128x128xf32, #tpu.memory_space<vmem>>
    %dma_start3A_109 = tpu.memref_squeeze %dma_start3A_108 : memref<1x128x128xf32, #tpu.memory_space<vmem>> -> memref<128x128xf32, #tpu.memory_space<vmem>>
    %dma_start3A_110 = arith.constant 0 : i32
    %dma_start3A_111 = tpu.memref_slice %arg4[%add3A_103, %dma_start3A_110] : memref<819200x128xf32, #tpu.memory_space<hbm>> -> memref<128x128xf32, #tpu.memory_space<hbm>>
    %dma_start3A_112 = tpu.memref_slice %arg9[%dma_start3A_105] : memref<4x!tpu.dma_semaphore, #tpu.memory_space<semaphore_mem>> -> memref<1x!tpu.dma_semaphore, #tpu.memory_space<semaphore_mem>>
    %dma_start3A_113 = tpu.memref_squeeze %dma_start3A_112 : memref<1x!tpu.dma_semaphore, #tpu.memory_space<semaphore_mem>> -> memref<!tpu.dma_semaphore, #tpu.memory_space<semaphore_mem>>
    %dma_start3A_114 = arith.constant 0 : i32
    %dma_start3A_115 = tpu.memref_slice %arg4[%add3A_103, %dma_start3A_114] : memref<819200x128xf32, #tpu.memory_space<hbm>> -> memref<128x128xf32, #tpu.memory_space<hbm>>
    %dma_start3A_116 = arith.constant 0 : i32
    %dma_start3A_117 = arith.constant 0 : i32
    %dma_start3A_118 = tpu.memref_slice %arg7[%dma_start3A_104, %dma_start3A_116, %dma_start3A_117] : memref<4x128x128xf32, #tpu.memory_space<vmem>> -> memref<1x128x128xf32, #tpu.memory_space<vmem>>
    %dma_start3A_119 = tpu.memref_squeeze %dma_start3A_118 : memref<1x128x128xf32, #tpu.memory_space<vmem>> -> memref<128x128xf32, #tpu.memory_space<vmem>>
    tpu.enqueue_dma source(%dma_start3A_119 : memref<128x128xf32, #tpu.memory_space<vmem>>) target(%dma_start3A_115 : memref<128x128xf32, #tpu.memory_space<hbm>>) target_semaphore(%dma_start3A_113 : memref<!tpu.dma_semaphore, #tpu.memory_space<semaphore_mem>>)
    %dma_wait3A_120 = arith.constant 1 : i32
    %dma_wait3A_121 = arith.constant 1 : i32
    %dma_wait3A_122 = arith.constant 0 : i32
    %dma_wait3A_123 = arith.constant 0 : i32
    %dma_wait3A_124 = tpu.memref_slice %arg7[%dma_wait3A_120, %dma_wait3A_122, %dma_wait3A_123] : memref<4x128x128xf32, #tpu.memory_space<vmem>> -> memref<1x128x128xf32, #tpu.memory_space<vmem>>
    %dma_wait3A_125 = tpu.memref_squeeze %dma_wait3A_124 : memref<1x128x128xf32, #tpu.memory_space<vmem>> -> memref<128x128xf32, #tpu.memory_space<vmem>>
    %dma_wait3A_126 = arith.constant 0 : i32
    %dma_wait3A_127 = tpu.memref_slice %arg4[%mul3A_2, %dma_wait3A_126] : memref<819200x128xf32, #tpu.memory_space<hbm>> -> memref<128x128xf32, #tpu.memory_space<hbm>>
    %dma_wait3A_128 = tpu.memref_slice %arg8[%dma_wait3A_121] : memref<4x!tpu.dma_semaphore, #tpu.memory_space<semaphore_mem>> -> memref<1x!tpu.dma_semaphore, #tpu.memory_space<semaphore_mem>>
    %dma_wait3A_129 = tpu.memref_squeeze %dma_wait3A_128 : memref<1x!tpu.dma_semaphore, #tpu.memory_space<semaphore_mem>> -> memref<!tpu.dma_semaphore, #tpu.memory_space<semaphore_mem>>
    %dma_wait3A_130 = arith.constant 0 : i32
    %dma_wait3A_131 = arith.constant 0 : i32
    %dma_wait3A_132 = tpu.memref_slice %arg7[%dma_wait3A_120, %dma_wait3A_130, %dma_wait3A_131] : memref<4x128x128xf32, #tpu.memory_space<vmem>> -> memref<1x128x128xf32, #tpu.memory_space<vmem>>
    %dma_wait3A_133 = tpu.memref_squeeze %dma_wait3A_132 : memref<1x128x128xf32, #tpu.memory_space<vmem>> -> memref<128x128xf32, #tpu.memory_space<vmem>>
    %dma_wait3A_134 = arith.constant 0 : i32
    %dma_wait3A_135 = tpu.memref_slice %arg4[%mul3A_2, %dma_wait3A_134] : memref<819200x128xf32, #tpu.memory_space<hbm>> -> memref<128x128xf32, #tpu.memory_space<hbm>>
    tpu.wait_dma2 semaphore(%dma_wait3A_129 : memref<!tpu.dma_semaphore, #tpu.memory_space<semaphore_mem>>) src(%dma_wait3A_135 : memref<128x128xf32, #tpu.memory_space<hbm>>) dst(%dma_wait3A_133 : memref<128x128xf32, #tpu.memory_space<vmem>>)
    %add3A_136 = arith.constant 25216 : i32
    %add3A_137 = arith.addi %mul3A_2, %add3A_136 : i32
    %dma_start3A_138 = arith.constant 1 : i32
    %dma_start3A_139 = arith.constant 1 : i32
    %dma_start3A_140 = arith.constant 0 : i32
    %dma_start3A_141 = arith.constant 0 : i32
    %dma_start3A_142 = tpu.memref_slice %arg7[%dma_start3A_138, %dma_start3A_140, %dma_start3A_141] : memref<4x128x128xf32, #tpu.memory_space<vmem>> -> memref<1x128x128xf32, #tpu.memory_space<vmem>>
    %dma_start3A_143 = tpu.memref_squeeze %dma_start3A_142 : memref<1x128x128xf32, #tpu.memory_space<vmem>> -> memref<128x128xf32, #tpu.memory_space<vmem>>
    %dma_start3A_144 = arith.constant 0 : i32
    %dma_start3A_145 = tpu.memref_slice %arg4[%add3A_137, %dma_start3A_144] : memref<819200x128xf32, #tpu.memory_space<hbm>> -> memref<128x128xf32, #tpu.memory_space<hbm>>
    %dma_start3A_146 = tpu.memref_slice %arg9[%dma_start3A_139] : memref<4x!tpu.dma_semaphore, #tpu.memory_space<semaphore_mem>> -> memref<1x!tpu.dma_semaphore, #tpu.memory_space<semaphore_mem>>
    %dma_start3A_147 = tpu.memref_squeeze %dma_start3A_146 : memref<1x!tpu.dma_semaphore, #tpu.memory_space<semaphore_mem>> -> memref<!tpu.dma_semaphore, #tpu.memory_space<semaphore_mem>>
    %dma_start3A_148 = arith.constant 0 : i32
    %dma_start3A_149 = tpu.memref_slice %arg4[%add3A_137, %dma_start3A_148] : memref<819200x128xf32, #tpu.memory_space<hbm>> -> memref<128x128xf32, #tpu.memory_space<hbm>>
    %dma_start3A_150 = arith.constant 0 : i32
    %dma_start3A_151 = arith.constant 0 : i32
    %dma_start3A_152 = tpu.memref_slice %arg7[%dma_start3A_138, %dma_start3A_150, %dma_start3A_151] : memref<4x128x128xf32, #tpu.memory_space<vmem>> -> memref<1x128x128xf32, #tpu.memory_space<vmem>>
    %dma_start3A_153 = tpu.memref_squeeze %dma_start3A_152 : memref<1x128x128xf32, #tpu.memory_space<vmem>> -> memref<128x128xf32, #tpu.memory_space<vmem>>
    tpu.enqueue_dma source(%dma_start3A_153 : memref<128x128xf32, #tpu.memory_space<vmem>>) target(%dma_start3A_149 : memref<128x128xf32, #tpu.memory_space<hbm>>) target_semaphore(%dma_start3A_147 : memref<!tpu.dma_semaphore, #tpu.memory_space<semaphore_mem>>)
    %dma_wait3A_154 = arith.constant 2 : i32
    %dma_wait3A_155 = arith.constant 2 : i32
    %dma_wait3A_156 = arith.constant 0 : i32
    %dma_wait3A_157 = arith.constant 0 : i32
    %dma_wait3A_158 = tpu.memref_slice %arg7[%dma_wait3A_154, %dma_wait3A_156, %dma_wait3A_157] : memref<4x128x128xf32, #tpu.memory_space<vmem>> -> memref<1x128x128xf32, #tpu.memory_space<vmem>>
    %dma_wait3A_159 = tpu.memref_squeeze %dma_wait3A_158 : memref<1x128x128xf32, #tpu.memory_space<vmem>> -> memref<128x128xf32, #tpu.memory_space<vmem>>
    %dma_wait3A_160 = arith.constant 0 : i32
    %dma_wait3A_161 = tpu.memref_slice %arg4[%mul3A_2, %dma_wait3A_160] : memref<819200x128xf32, #tpu.memory_space<hbm>> -> memref<128x128xf32, #tpu.memory_space<hbm>>
    %dma_wait3A_162 = tpu.memref_slice %arg8[%dma_wait3A_155] : memref<4x!tpu.dma_semaphore, #tpu.memory_space<semaphore_mem>> -> memref<1x!tpu.dma_semaphore, #tpu.memory_space<semaphore_mem>>
    %dma_wait3A_163 = tpu.memref_squeeze %dma_wait3A_162 : memref<1x!tpu.dma_semaphore, #tpu.memory_space<semaphore_mem>> -> memref<!tpu.dma_semaphore, #tpu.memory_space<semaphore_mem>>
    %dma_wait3A_164 = arith.constant 0 : i32
    %dma_wait3A_165 = arith.constant 0 : i32
    %dma_wait3A_166 = tpu.memref_slice %arg7[%dma_wait3A_154, %dma_wait3A_164, %dma_wait3A_165] : memref<4x128x128xf32, #tpu.memory_space<vmem>> -> memref<1x128x128xf32, #tpu.memory_space<vmem>>
    %dma_wait3A_167 = tpu.memref_squeeze %dma_wait3A_166 : memref<1x128x128xf32, #tpu.memory_space<vmem>> -> memref<128x128xf32, #tpu.memory_space<vmem>>
    %dma_wait3A_168 = arith.constant 0 : i32
    %dma_wait3A_169 = tpu.memref_slice %arg4[%mul3A_2, %dma_wait3A_168] : memref<819200x128xf32, #tpu.memory_space<hbm>> -> memref<128x128xf32, #tpu.memory_space<hbm>>
    tpu.wait_dma2 semaphore(%dma_wait3A_163 : memref<!tpu.dma_semaphore, #tpu.memory_space<semaphore_mem>>) src(%dma_wait3A_169 : memref<128x128xf32, #tpu.memory_space<hbm>>) dst(%dma_wait3A_167 : memref<128x128xf32, #tpu.memory_space<vmem>>)
    %add3A_170 = arith.constant 25344 : i32
    %add3A_171 = arith.addi %mul3A_2, %add3A_170 : i32
    %dma_start3A_172 = arith.constant 2 : i32
    %dma_start3A_173 = arith.constant 2 : i32
    %dma_start3A_174 = arith.constant 0 : i32
    %dma_start3A_175 = arith.constant 0 : i32
    %dma_start3A_176 = tpu.memref_slice %arg7[%dma_start3A_172, %dma_start3A_174, %dma_start3A_175] : memref<4x128x128xf32, #tpu.memory_space<vmem>> -> memref<1x128x128xf32, #tpu.memory_space<vmem>>
    %dma_start3A_177 = tpu.memref_squeeze %dma_start3A_176 : memref<1x128x128xf32, #tpu.memory_space<vmem>> -> memref<128x128xf32, #tpu.memory_space<vmem>>
    %dma_start3A_178 = arith.constant 0 : i32
    %dma_start3A_179 = tpu.memref_slice %arg4[%add3A_171, %dma_start3A_178] : memref<819200x128xf32, #tpu.memory_space<hbm>> -> memref<128x128xf32, #tpu.memory_space<hbm>>
    %dma_start3A_180 = tpu.memref_slice %arg9[%dma_start3A_173] : memref<4x!tpu.dma_semaphore, #tpu.memory_space<semaphore_mem>> -> memref<1x!tpu.dma_semaphore, #tpu.memory_space<semaphore_mem>>
    %dma_start3A_181 = tpu.memref_squeeze %dma_start3A_180 : memref<1x!tpu.dma_semaphore, #tpu.memory_space<semaphore_mem>> -> memref<!tpu.dma_semaphore, #tpu.memory_space<semaphore_mem>>
    %dma_start3A_182 = arith.constant 0 : i32
    %dma_start3A_183 = tpu.memref_slice %arg4[%add3A_171, %dma_start3A_182] : memref<819200x128xf32, #tpu.memory_space<hbm>> -> memref<128x128xf32, #tpu.memory_space<hbm>>
    %dma_start3A_184 = arith.constant 0 : i32
    %dma_start3A_185 = arith.constant 0 : i32
    %dma_start3A_186 = tpu.memref_slice %arg7[%dma_start3A_172, %dma_start3A_184, %dma_start3A_185] : memref<4x128x128xf32, #tpu.memory_space<vmem>> -> memref<1x128x128xf32, #tpu.memory_space<vmem>>
    %dma_start3A_187 = tpu.memref_squeeze %dma_start3A_186 : memref<1x128x128xf32, #tpu.memory_space<vmem>> -> memref<128x128xf32, #tpu.memory_space<vmem>>
    tpu.enqueue_dma source(%dma_start3A_187 : memref<128x128xf32, #tpu.memory_space<vmem>>) target(%dma_start3A_183 : memref<128x128xf32, #tpu.memory_space<hbm>>) target_semaphore(%dma_start3A_181 : memref<!tpu.dma_semaphore, #tpu.memory_space<semaphore_mem>>)
    %dma_wait3A_188 = arith.constant 3 : i32
    %dma_wait3A_189 = arith.constant 3 : i32
    %dma_wait3A_190 = arith.constant 0 : i32
    %dma_wait3A_191 = arith.constant 0 : i32
    %dma_wait3A_192 = tpu.memref_slice %arg7[%dma_wait3A_188, %dma_wait3A_190, %dma_wait3A_191] : memref<4x128x128xf32, #tpu.memory_space<vmem>> -> memref<1x128x128xf32, #tpu.memory_space<vmem>>
    %dma_wait3A_193 = tpu.memref_squeeze %dma_wait3A_192 : memref<1x128x128xf32, #tpu.memory_space<vmem>> -> memref<128x128xf32, #tpu.memory_space<vmem>>
    %dma_wait3A_194 = arith.constant 0 : i32
    %dma_wait3A_195 = tpu.memref_slice %arg4[%mul3A_2, %dma_wait3A_194] : memref<819200x128xf32, #tpu.memory_space<hbm>> -> memref<128x128xf32, #tpu.memory_space<hbm>>
    %dma_wait3A_196 = tpu.memref_slice %arg8[%dma_wait3A_189] : memref<4x!tpu.dma_semaphore, #tpu.memory_space<semaphore_mem>> -> memref<1x!tpu.dma_semaphore, #tpu.memory_space<semaphore_mem>>
    %dma_wait3A_197 = tpu.memref_squeeze %dma_wait3A_196 : memref<1x!tpu.dma_semaphore, #tpu.memory_space<semaphore_mem>> -> memref<!tpu.dma_semaphore, #tpu.memory_space<semaphore_mem>>
    %dma_wait3A_198 = arith.constant 0 : i32
    %dma_wait3A_199 = arith.constant 0 : i32
    %dma_wait3A_200 = tpu.memref_slice %arg7[%dma_wait3A_188, %dma_wait3A_198, %dma_wait3A_199] : memref<4x128x128xf32, #tpu.memory_space<vmem>> -> memref<1x128x128xf32, #tpu.memory_space<vmem>>
    %dma_wait3A_201 = tpu.memref_squeeze %dma_wait3A_200 : memref<1x128x128xf32, #tpu.memory_space<vmem>> -> memref<128x128xf32, #tpu.memory_space<vmem>>
    %dma_wait3A_202 = arith.constant 0 : i32
    %dma_wait3A_203 = tpu.memref_slice %arg4[%mul3A_2, %dma_wait3A_202] : memref<819200x128xf32, #tpu.memory_space<hbm>> -> memref<128x128xf32, #tpu.memory_space<hbm>>
    tpu.wait_dma2 semaphore(%dma_wait3A_197 : memref<!tpu.dma_semaphore, #tpu.memory_space<semaphore_mem>>) src(%dma_wait3A_203 : memref<128x128xf32, #tpu.memory_space<hbm>>) dst(%dma_wait3A_201 : memref<128x128xf32, #tpu.memory_space<vmem>>)
    %add3A_204 = arith.constant 25472 : i32
    %add3A_205 = arith.addi %mul3A_2, %add3A_204 : i32
    %dma_start3A_206 = arith.constant 3 : i32
    %dma_start3A_207 = arith.constant 3 : i32
    %dma_start3A_208 = arith.constant 0 : i32
    %dma_start3A_209 = arith.constant 0 : i32
    %dma_start3A_210 = tpu.memref_slice %arg7[%dma_start3A_206, %dma_start3A_208, %dma_start3A_209] : memref<4x128x128xf32, #tpu.memory_space<vmem>> -> memref<1x128x128xf32, #tpu.memory_space<vmem>>
    %dma_start3A_211 = tpu.memref_squeeze %dma_start3A_210 : memref<1x128x128xf32, #tpu.memory_space<vmem>> -> memref<128x128xf32, #tpu.memory_space<vmem>>
    %dma_start3A_212 = arith.constant 0 : i32
    %dma_start3A_213 = tpu.memref_slice %arg4[%add3A_205, %dma_start3A_212] : memref<819200x128xf32, #tpu.memory_space<hbm>> -> memref<128x128xf32, #tpu.memory_space<hbm>>
    %dma_start3A_214 = tpu.memref_slice %arg9[%dma_start3A_207] : memref<4x!tpu.dma_semaphore, #tpu.memory_space<semaphore_mem>> -> memref<1x!tpu.dma_semaphore, #tpu.memory_space<semaphore_mem>>
    %dma_start3A_215 = tpu.memref_squeeze %dma_start3A_214 : memref<1x!tpu.dma_semaphore, #tpu.memory_space<semaphore_mem>> -> memref<!tpu.dma_semaphore, #tpu.memory_space<semaphore_mem>>
    %dma_start3A_216 = arith.constant 0 : i32
    %dma_start3A_217 = tpu.memref_slice %arg4[%add3A_205, %dma_start3A_216] : memref<819200x128xf32, #tpu.memory_space<hbm>> -> memref<128x128xf32, #tpu.memory_space<hbm>>
    %dma_start3A_218 = arith.constant 0 : i32
    %dma_start3A_219 = arith.constant 0 : i32
    %dma_start3A_220 = tpu.memref_slice %arg7[%dma_start3A_206, %dma_start3A_218, %dma_start3A_219] : memref<4x128x128xf32, #tpu.memory_space<vmem>> -> memref<1x128x128xf32, #tpu.memory_space<vmem>>
    %dma_start3A_221 = tpu.memref_squeeze %dma_start3A_220 : memref<1x128x128xf32, #tpu.memory_space<vmem>> -> memref<128x128xf32, #tpu.memory_space<vmem>>
    tpu.enqueue_dma source(%dma_start3A_221 : memref<128x128xf32, #tpu.memory_space<vmem>>) target(%dma_start3A_217 : memref<128x128xf32, #tpu.memory_space<hbm>>) target_semaphore(%dma_start3A_215 : memref<!tpu.dma_semaphore, #tpu.memory_space<semaphore_mem>>)
    %add3A_222 = arith.constant 25088 : i32
    %add3A_223 = arith.addi %mul3A_2, %add3A_222 : i32
    %dma_wait3A_224 = arith.constant 0 : i32
    %dma_wait3A_225 = arith.constant 0 : i32
    %dma_wait3A_226 = arith.constant 0 : i32
    %dma_wait3A_227 = arith.constant 0 : i32
    %dma_wait3A_228 = tpu.memref_slice %arg7[%dma_wait3A_224, %dma_wait3A_226, %dma_wait3A_227] : memref<4x128x128xf32, #tpu.memory_space<vmem>> -> memref<1x128x128xf32, #tpu.memory_space<vmem>>
    %dma_wait3A_229 = tpu.memref_squeeze %dma_wait3A_228 : memref<1x128x128xf32, #tpu.memory_space<vmem>> -> memref<128x128xf32, #tpu.memory_space<vmem>>
    %dma_wait3A_230 = arith.constant 0 : i32
    %dma_wait3A_231 = tpu.memref_slice %arg4[%add3A_223, %dma_wait3A_230] : memref<819200x128xf32, #tpu.memory_space<hbm>> -> memref<128x128xf32, #tpu.memory_space<hbm>>
    %dma_wait3A_232 = tpu.memref_slice %arg9[%dma_wait3A_225] : memref<4x!tpu.dma_semaphore, #tpu.memory_space<semaphore_mem>> -> memref<1x!tpu.dma_semaphore, #tpu.memory_space<semaphore_mem>>
    %dma_wait3A_233 = tpu.memref_squeeze %dma_wait3A_232 : memref<1x!tpu.dma_semaphore, #tpu.memory_space<semaphore_mem>> -> memref<!tpu.dma_semaphore, #tpu.memory_space<semaphore_mem>>
    %dma_wait3A_234 = arith.constant 0 : i32
    %dma_wait3A_235 = tpu.memref_slice %arg4[%add3A_223, %dma_wait3A_234] : memref<819200x128xf32, #tpu.memory_space<hbm>> -> memref<128x128xf32, #tpu.memory_space<hbm>>
    %dma_wait3A_236 = arith.constant 0 : i32
    %dma_wait3A_237 = arith.constant 0 : i32
    %dma_wait3A_238 = tpu.memref_slice %arg7[%dma_wait3A_224, %dma_wait3A_236, %dma_wait3A_237] : memref<4x128x128xf32, #tpu.memory_space<vmem>> -> memref<1x128x128xf32, #tpu.memory_space<vmem>>
    %dma_wait3A_239 = tpu.memref_squeeze %dma_wait3A_238 : memref<1x128x128xf32, #tpu.memory_space<vmem>> -> memref<128x128xf32, #tpu.memory_space<vmem>>
    tpu.wait_dma2 semaphore(%dma_wait3A_233 : memref<!tpu.dma_semaphore, #tpu.memory_space<semaphore_mem>>) src(%dma_wait3A_239 : memref<128x128xf32, #tpu.memory_space<vmem>>) dst(%dma_wait3A_235 : memref<128x128xf32, #tpu.memory_space<hbm>>)
    %add3A_240 = arith.constant 25216 : i32
    %add3A_241 = arith.addi %mul3A_2, %add3A_240 : i32
    %dma_wait3A_242 = arith.constant 1 : i32
    %dma_wait3A_243 = arith.constant 1 : i32
    %dma_wait3A_244 = arith.constant 0 : i32
    %dma_wait3A_245 = arith.constant 0 : i32
    %dma_wait3A_246 = tpu.memref_slice %arg7[%dma_wait3A_242, %dma_wait3A_244, %dma_wait3A_245] : memref<4x128x128xf32, #tpu.memory_space<vmem>> -> memref<1x128x128xf32, #tpu.memory_space<vmem>>
    %dma_wait3A_247 = tpu.memref_squeeze %dma_wait3A_246 : memref<1x128x128xf32, #tpu.memory_space<vmem>> -> memref<128x128xf32, #tpu.memory_space<vmem>>
    %dma_wait3A_248 = arith.constant 0 : i32
    %dma_wait3A_249 = tpu.memref_slice %arg4[%add3A_241, %dma_wait3A_248] : memref<819200x128xf32, #tpu.memory_space<hbm>> -> memref<128x128xf32, #tpu.memory_space<hbm>>
    %dma_wait3A_250 = tpu.memref_slice %arg9[%dma_wait3A_243] : memref<4x!tpu.dma_semaphore, #tpu.memory_space<semaphore_mem>> -> memref<1x!tpu.dma_semaphore, #tpu.memory_space<semaphore_mem>>
    %dma_wait3A_251 = tpu.memref_squeeze %dma_wait3A_250 : memref<1x!tpu.dma_semaphore, #tpu.memory_space<semaphore_mem>> -> memref<!tpu.dma_semaphore, #tpu.memory_space<semaphore_mem>>
    %dma_wait3A_252 = arith.constant 0 : i32
    %dma_wait3A_253 = tpu.memref_slice %arg4[%add3A_241, %dma_wait3A_252] : memref<819200x128xf32, #tpu.memory_space<hbm>> -> memref<128x128xf32, #tpu.memory_space<hbm>>
    %dma_wait3A_254 = arith.constant 0 : i32
    %dma_wait3A_255 = arith.constant 0 : i32
    %dma_wait3A_256 = tpu.memref_slice %arg7[%dma_wait3A_242, %dma_wait3A_254, %dma_wait3A_255] : memref<4x128x128xf32, #tpu.memory_space<vmem>> -> memref<1x128x128xf32, #tpu.memory_space<vmem>>
    %dma_wait3A_257 = tpu.memref_squeeze %dma_wait3A_256 : memref<1x128x128xf32, #tpu.memory_space<vmem>> -> memref<128x128xf32, #tpu.memory_space<vmem>>
    tpu.wait_dma2 semaphore(%dma_wait3A_251 : memref<!tpu.dma_semaphore, #tpu.memory_space<semaphore_mem>>) src(%dma_wait3A_257 : memref<128x128xf32, #tpu.memory_space<vmem>>) dst(%dma_wait3A_253 : memref<128x128xf32, #tpu.memory_space<hbm>>)
    %add3A_258 = arith.constant 25344 : i32
    %add3A_259 = arith.addi %mul3A_2, %add3A_258 : i32
    %dma_wait3A_260 = arith.constant 2 : i32
    %dma_wait3A_261 = arith.constant 2 : i32
    %dma_wait3A_262 = arith.constant 0 : i32
    %dma_wait3A_263 = arith.constant 0 : i32
    %dma_wait3A_264 = tpu.memref_slice %arg7[%dma_wait3A_260, %dma_wait3A_262, %dma_wait3A_263] : memref<4x128x128xf32, #tpu.memory_space<vmem>> -> memref<1x128x128xf32, #tpu.memory_space<vmem>>
    %dma_wait3A_265 = tpu.memref_squeeze %dma_wait3A_264 : memref<1x128x128xf32, #tpu.memory_space<vmem>> -> memref<128x128xf32, #tpu.memory_space<vmem>>
    %dma_wait3A_266 = arith.constant 0 : i32
    %dma_wait3A_267 = tpu.memref_slice %arg4[%add3A_259, %dma_wait3A_266] : memref<819200x128xf32, #tpu.memory_space<hbm>> -> memref<128x128xf32, #tpu.memory_space<hbm>>
    %dma_wait3A_268 = tpu.memref_slice %arg9[%dma_wait3A_261] : memref<4x!tpu.dma_semaphore, #tpu.memory_space<semaphore_mem>> -> memref<1x!tpu.dma_semaphore, #tpu.memory_space<semaphore_mem>>
    %dma_wait3A_269 = tpu.memref_squeeze %dma_wait3A_268 : memref<1x!tpu.dma_semaphore, #tpu.memory_space<semaphore_mem>> -> memref<!tpu.dma_semaphore, #tpu.memory_space<semaphore_mem>>
    %dma_wait3A_270 = arith.constant 0 : i32
    %dma_wait3A_271 = tpu.memref_slice %arg4[%add3A_259, %dma_wait3A_270] : memref<819200x128xf32, #tpu.memory_space<hbm>> -> memref<128x128xf32, #tpu.memory_space<hbm>>
    %dma_wait3A_272 = arith.constant 0 : i32
    %dma_wait3A_273 = arith.constant 0 : i32
    %dma_wait3A_274 = tpu.memref_slice %arg7[%dma_wait3A_260, %dma_wait3A_272, %dma_wait3A_273] : memref<4x128x128xf32, #tpu.memory_space<vmem>> -> memref<1x128x128xf32, #tpu.memory_space<vmem>>
    %dma_wait3A_275 = tpu.memref_squeeze %dma_wait3A_274 : memref<1x128x128xf32, #tpu.memory_space<vmem>> -> memref<128x128xf32, #tpu.memory_space<vmem>>
    tpu.wait_dma2 semaphore(%dma_wait3A_269 : memref<!tpu.dma_semaphore, #tpu.memory_space<semaphore_mem>>) src(%dma_wait3A_275 : memref<128x128xf32, #tpu.memory_space<vmem>>) dst(%dma_wait3A_271 : memref<128x128xf32, #tpu.memory_space<hbm>>)
    %add3A_276 = arith.constant 25472 : i32
    %add3A_277 = arith.addi %mul3A_2, %add3A_276 : i32
    %dma_wait3A_278 = arith.constant 3 : i32
    %dma_wait3A_279 = arith.constant 3 : i32
    %dma_wait3A_280 = arith.constant 0 : i32
    %dma_wait3A_281 = arith.constant 0 : i32
    %dma_wait3A_282 = tpu.memref_slice %arg7[%dma_wait3A_278, %dma_wait3A_280, %dma_wait3A_281] : memref<4x128x128xf32, #tpu.memory_space<vmem>> -> memref<1x128x128xf32, #tpu.memory_space<vmem>>
    %dma_wait3A_283 = tpu.memref_squeeze %dma_wait3A_282 : memref<1x128x128xf32, #tpu.memory_space<vmem>> -> memref<128x128xf32, #tpu.memory_space<vmem>>
    %dma_wait3A_284 = arith.constant 0 : i32
    %dma_wait3A_285 = tpu.memref_slice %arg4[%add3A_277, %dma_wait3A_284] : memref<819200x128xf32, #tpu.memory_space<hbm>> -> memref<128x128xf32, #tpu.memory_space<hbm>>
    %dma_wait3A_286 = tpu.memref_slice %arg9[%dma_wait3A_279] : memref<4x!tpu.dma_semaphore, #tpu.memory_space<semaphore_mem>> -> memref<1x!tpu.dma_semaphore, #tpu.memory_space<semaphore_mem>>
    %dma_wait3A_287 = tpu.memref_squeeze %dma_wait3A_286 : memref<1x!tpu.dma_semaphore, #tpu.memory_space<semaphore_mem>> -> memref<!tpu.dma_semaphore, #tpu.memory_space<semaphore_mem>>
    %dma_wait3A_288 = arith.constant 0 : i32
    %dma_wait3A_289 = tpu.memref_slice %arg4[%add3A_277, %dma_wait3A_288] : memref<819200x128xf32, #tpu.memory_space<hbm>> -> memref<128x128xf32, #tpu.memory_space<hbm>>
    %dma_wait3A_290 = arith.constant 0 : i32
    %dma_wait3A_291 = arith.constant 0 : i32
    %dma_wait3A_292 = tpu.memref_slice %arg7[%dma_wait3A_278, %dma_wait3A_290, %dma_wait3A_291] : memref<4x128x128xf32, #tpu.memory_space<vmem>> -> memref<1x128x128xf32, #tpu.memory_space<vmem>>
    %dma_wait3A_293 = tpu.memref_squeeze %dma_wait3A_292 : memref<1x128x128xf32, #tpu.memory_space<vmem>> -> memref<128x128xf32, #tpu.memory_space<vmem>>
    tpu.wait_dma2 semaphore(%dma_wait3A_287 : memref<!tpu.dma_semaphore, #tpu.memory_space<semaphore_mem>>) src(%dma_wait3A_293 : memref<128x128xf32, #tpu.memory_space<vmem>>) dst(%dma_wait3A_289 : memref<128x128xf32, #tpu.memory_space<hbm>>)
    return
  }
}

</mosaic_0001>

<sc_bundles>
// kernel: kernel.3.cloned.1.call-start
scs
__scs_entry_jumppad:
0x0: {  	(pc) =	sbr.rel $0x88, $3  }
0x1: {  	(tag) =	ssettag $0x0;
	lr =	simm.s32 $0x1  }
0x2: {  	[smem:$0x3F9F] =	sst lr;
	_ =	strace $0xD0000000  }
0x3: {  	_ = 	snop  }
0x4: {  	_ = 	snop  }
0x5: {  	_ = 	snop  }
0x6: {  	_ = 	snop  }
0x7: {  	_ = 	snop  }
__scs_overlays_trampoline_lowered:
0x8: {  	[smem:$0x3FAE] =	sst s0  }
0x9: {  	[smem:$0x3FAF] =	sst s1  }
0xa: {  	[smem:$0x3FB0] =	sst s2  }
0xb: {  	[smem:$0x3FB1] =	sst s3  }
0xc: {  	[smem:$0x3FB2] =	sst s4  }
0xd: {  	[smem:$0x3FB3] =	sst s5  }
0xe: {  	[smem:$0x3FB4] =	sst s6  }
0xf: {  	[smem:$0x3FB5] =	sst s7  }
0x10: {  	[smem:$0x3FB6] =	sst s8  }
0x11: {  	[smem:$0x3FB7] =	sst s9;
	s0 =	simm.s32 @!p0 $0x0  }
0x12: {  	s1 =	sld [smem:$0x3F9D];
	s0 =	simm.s32 @p0 $0x1  }
0x13: {  	[smem:$0x3FB8] =	sst s0;
	s0 =	simm.s32 @!p1 $0x0  }
0x14: {  	s2 =	sld [smem:$0x3F9C];
	s0 =	simm.s32 @p1 $0x1  }
0x15: {  	[smem:$0x3FB9] =	sst s0;
	s0 =	simm.s32 @!p2 $0x0  }
0x16: {  	s3 =	sld [smem:$0x3FDB];
	s0 =	simm.s32 @p2 $0x1  }
0x17: {  	s4 =	simm.s32 $0x1BF5;
	[smem:$0x3FBB] =	sst s0  }
0x18: {  	s0 =	sld [smem:$0x3F9E];
	_ =	swait.ge [sflag:s4], $0x0  }
0x19: {  	s7 =	sld [smem:$0x3F9F]  }
0x1a: {  	s8 =	sadd.s32 $0xFFFFE003, lr  }
0x1b: {  	s9 =	sadd.s32 $0xFFFFFEF7, lr;
	s5 =	simm.s32 $0xFFFFFFFF;
	p2 =	slt.u32 s8, $0xFFFFF086  }
0x1c: {  	p1 =	slt.u32 s9, $0xF7A;
	s5 =	simm.s32 @!p2 $0x0  }
0x1d: {  	s5 =	simm.s32 @p1 $0x1;
	p0 =	seq.s32 s7, s2  }
0x1e: {  	s7 =	smul.u32 @!p0 $0xF7A, s2;
	p2 =	seq.s32 @!p0 s5, $0x0  }
0x1f: {  	s9 =	smul.u32 $0xF7A, s1;
	s8 =	simm.s32 @!p0 $0x1BF5;
	p2 =	por !p2, p0  }
0x20: {  	[sflag:s8] =	ssyncset.s32 @!p0 $0xFFFFF086;
	s6 =	sadd.s32 @!p0 s3, s7;
	s7 =	simm.s32 @!p0 $0x108  }
0x21: {  	s3 =	sadd.s32 s3, s9;
	s6 =	sadd.s32 @!p0 $0x88, s6;
	s7 =	simm.s32 @p2 $0x1082  }
0x22: {  	[simem:s7], [sflag:s8] =	dma.local @!p0 [hbm:s6], $0xF7A  }
0x23: {  	s9 =	sor.u32 $0xD0000000, s2;
	s6 =	simm.s32 $0x108;
	_ =	swait.ge @!p0 [sflag:s8], $0x0  }
0x24: {  	s3 =	sadd.s32 $0x88, s3;
	s6 =	simm.s32 @!p1 $0x1082;
	[sflag:s4] =	ssyncset.s32 $0xFFFFF086  }
0x25: {  	[simem:s6], [sflag:s4] =	dma.local [hbm:s3], $0xF7A  }
0x26: {  	[smem:$0x3F9F] =	sst s1;
	(tag) =	ssettag s2;
	_ =	strace s9  }
0x27: {  	s1 =	sld [smem:$0x3FAF]  }
0x28: {  	s2 =	sld [smem:$0x3FB0]  }
0x29: {  	s4 =	sld [smem:$0x3FB2]  }
0x2a: {  	p0 =	seq.s32 s5, $0x0;
	s5 =	sld [smem:$0x3FB3]  }
0x2b: {  	s6 =	sld [smem:$0x3FB4]  }
0x2c: {  	s7 =	sld [smem:$0x3FB5]  }
0x2d: {  	s3 =	simm.s32 $0x108;
	s8 =	sld [smem:$0x3FB6]  }
0x2e: {  	s3 =	simm.s32 @!p0 $0x1082;
	s9 =	sld [smem:$0x3FB7]  }
0x2f: {  	lr =	sadd.s32 s0, s3;
	s0 =	sld [smem:$0x3FAE]  }
0x30: {  	s3 =	sld [smem:$0x3FB1]  }
0x31: {  	[smem:$0x3FBA] =	sst s10  }
0x32: {  	s10 =	sld [smem:$0x3FB8];
	_ =	sdelay $0x3  }
0x33: {  	p0 =	seq.s32 s10, $0x1;
	s10 =	sld [smem:$0x3FBA];
	_ =	sdelay $0x3  }
0x34: {  	[smem:$0x3FBA] =	sst s10  }
0x35: {  	s10 =	sld [smem:$0x3FB9];
	_ =	sdelay $0x3  }
0x36: {  	p1 =	seq.s32 s10, $0x1;
	s10 =	sld [smem:$0x3FBA];
	_ =	sdelay $0x3  }
0x37: {  	[smem:$0x3FBA] =	sst s10  }
0x38: {  	s10 =	sld [smem:$0x3FBB]  }
0x39: {  	_ = 	snop;
	(pc) =	sbr.ind lr, $3  }
0x3a: {  	_ = 	snop  }
0x3b: {  	_ = 	snop  }
0x3c: {  	p2 =	seq.s32 s10, $0x1;
	s10 =	sld [smem:$0x3FBA]  }
0x3d: {  	_ =	shalt  }
0x3e: {  	_ =	shalt  }
0x3f: {  	_ =	shalt  }
0x40: {  	_ =	shalt  }
0x41: {  	_ =	shalt  }
0x42: {  	_ =	shalt  }
0x43: {  	_ =	shalt  }
0x44: {  	_ =	shalt  }
0x45: {  	_ =	shalt  }
0x46: {  	_ =	shalt  }
0x47: {  	_ =	shalt  }
0x48: {  	_ =	shalt  }
0x49: {  	_ =	shalt  }
0x4a: {  	_ =	shalt  }
0x4b: {  	_ =	shalt  }
0x4c: {  	_ =	shalt  }
0x4d: {  	_ =	shalt  }
0x4e: {  	_ =	shalt  }
0x4f: {  	_ =	shalt  }
0x50: {  	_ =	shalt  }
0x51: {  	_ =	shalt  }
0x52: {  	_ =	shalt  }
0x53: {  	_ =	shalt  }
0x54: {  	_ =	shalt  }
0x55: {  	_ =	shalt  }
0x56: {  	_ =	shalt  }
0x57: {  	_ =	shalt  }
0x58: {  	_ =	shalt  }
0x59: {  	_ =	shalt  }
0x5a: {  	_ =	shalt  }
0x5b: {  	_ =	shalt  }
0x5c: {  	_ =	shalt  }
0x5d: {  	_ =	shalt  }
0x5e: {  	_ =	shalt  }
0x5f: {  	_ =	shalt  }
0x60: {  	_ =	shalt  }
0x61: {  	_ =	shalt  }
0x62: {  	_ =	shalt  }
0x63: {  	_ =	shalt  }
0x64: {  	_ =	shalt  }
0x65: {  	_ =	shalt  }
0x66: {  	_ =	shalt  }
0x67: {  	_ =	shalt  }
0x68: {  	_ =	shalt  }
0x69: {  	_ =	shalt  }
0x6a: {  	_ =	shalt  }
0x6b: {  	_ =	shalt  }
0x6c: {  	_ =	shalt  }
0x6d: {  	_ =	shalt  }
0x6e: {  	_ =	shalt  }
0x6f: {  	_ =	shalt  }
0x70: {  	_ =	shalt  }
0x71: {  	_ =	shalt  }
0x72: {  	_ =	shalt  }
0x73: {  	_ =	shalt  }
0x74: {  	_ =	shalt  }
0x75: {  	_ =	shalt  }
0x76: {  	_ =	shalt  }
0x77: {  	_ =	shalt  }
0x78: {  	_ =	shalt  }
0x79: {  	_ =	shalt  }
0x7a: {  	_ =	shalt  }
0x7b: {  	_ =	shalt  }
0x7c: {  	_ =	shalt  }
0x7d: {  	_ =	shalt  }
0x7e: {  	_ =	shalt  }
0x7f: {  	_ =	shalt  }
0x80: {  	_ =	shalt  }
0x81: {  	_ =	shalt  }
0x82: {  	_ =	shalt  }
0x83: {  	_ =	shalt  }
0x84: {  	_ =	shalt  }
0x85: {  	_ =	shalt  }
0x86: {  	_ =	shalt  }
0x87: {  	_ =	shalt  }
.Lfunc_end0:
.L_simem_size_0:
called_computation_lowered:
.L_overlay_start_0:
0x88: {  	s2 =	sld [smem:$0x3FD9]  }
0x89: {  	s3 =	sld [smem:$0x3FFE];
	_ =	sdelay $0x1  }
0x8a: {  	s1 =	srdreg.scid  }
0x8b: {  	s0 =	sand.u32 $0x1, s1  }
0x8c: {  	s17 =	sshll.u32 s0, $0xA;
	s2 =	sadd.s32 s3, s2  }
0x8d: {  	s2 =	sadd.s32 s2, s17  }
0x8e: {  	[smem:$0x3FC6] =	sst s2  }
0x8f: {  	_ = 	snop  }
0x90: {  	s2 =	sld [smem:$0x3FC8]  }
0x91: {  	s18 =	sld [smem:$0x3FD0];
	(tm) =	ssettm $0x1  }
0x92: {  	s4 =	sld [smem:$0x3FFB];
	_ =	sdelay $0x3  }
0x93: {  	_ =	strace s4  }
0x94: {  	s4 =	sld [smem:$0x3FFC];
	_ =	sdelay $0x3  }
0x95: {  	_ =	strace s4  }
0x96: {  	s4 =	sld [smem:$0x3FFD];
	_ =	sdelay $0x3  }
0x97: {  	_ =	strace s4  }
0x98: {  	_ =	strace $0x8FFFFFFF  }
0x99: {  	s19 =	sld [smem:$0x3FDB];
	_ =	sdelay $0x1  }
0x9a: {  	s5 =	simm.s32 $_scs_section_size  }
0x9b: {  	s6 =	simm.s32 $_size__tile_overlayer_lowered;
	s7 =	simm.s32 $_tile_overlayer_lowered  }
0x9c: {  	s22 =	simm.s32 $0x1BFF;
	s21 =	sshll.u32 s7, $0x1;
	s4 =	sadd.s32 s5, s19  }
0x9d: {  	s8 =	simm.s32 $0x0;
	s20 =	sshll.u32 s6, $0x1;
	s6 =	sadd.s32 s21, s4  }
0x9e: {  	[timem:s8], [sflag:s22] =	dma.local [hbm:s6], s20  }
0x9f: {  	_ =	swait.ge [sflag:s22], s20  }
0xa0: {  	s5 =	ssub.s32 $0x0, s20;
	[sflag:s22] =	ssyncset.done $0x0  }
0xa1: {  	[sflag:s22] =	ssyncadd.s32 s5;
	_ =	sdelay $0x1  }
0xa2: {  	s23 =	simm.s32 $0x1B8B  }
0xa3: {  	_ =	swait.ge [sflag:s23], $0x1  }
0xa4: {  	[sflag:s23] =	ssyncset.done $0x0  }
0xa5: {  	s25 =	simm.s32 $0x1B8E;
	s24 =	sld [smem:$0x3FFE];
	[sflag:s23] =	ssyncadd.s32 $0xFFFFFFFF  }
0xa6: {  	s26 =	simm.s32 $execute0_lowered;
	[smem:$0x3FD2] =	sst s25  }
0xa7: {  	s6 =	sshll.u32 s26, $0x1;
	_ =	strace $0x80000046;
	[dreg:$0x1] =	wrdreg $0xFFFFFFFF  }
0xa8: {  	s28 =	simm.s32 $_size_execute0_lowered;
	s4 =	sadd.s32 s4, s6;
	[dreg:$0x0] =	wrdreg $0x0  }
0xa9: {  	s6 =	sshll.u32 s28, $0x1;
	[dreg:$0x2] =	wrdreg s4  }
0xaa: {  	[dreg:$0x3] =	wrdreg s6  }
0xab: {  	[dreg:$0x4] =	wrdreg $0xC0  }
0xac: {  	_ =	task [dreg:s8], $0x5FFFF  }
0xad: {  	[dreg:$0x1] =	wrdreg $0xFFFFFFFF  }
0xae: {  	[dreg:$0x0] =	wrdreg $0x60  }
0xaf: {  	[dreg:$0x2] =	wrdreg s24  }
0xb0: {  	[dreg:$0x3] =	wrdreg s2  }
0xb1: {  	[dreg:$0x4] =	wrdreg s18  }
0xb2: {  	[dreg:$0x5] =	wrdreg $0x0  }
0xb3: {  	[dreg:$0x6] =	wrdreg $0x9  }
0xb4: {  	_ =	task.clear_ibuf [dreg:s8], $0x7FFFF;
	_ =	strace $0x90000046  }
0xb5: {  	s29 =	simm.s32 $0x9;
	_ =	strace $0x80000048  }
0xb6: {  	_ =	swait.ge [sflag:s29], $0x1  }
0xb7: {  	[sflag:s29] =	ssyncadd.s32 $0xFFFFFFFF  }
0xb8: {  	_ =	strace $0x90000048  }
0xb9: {  	_ =	sfence  }
0xba: {  	s30 =	sld [smem:$0x0];
	_ =	sdelay $0x2  }
0xbb: {  	s31 =	sshll.u32 s1, $0xD;
	s1 =	sshrl.u32 s1, $0x2  }
0xbc: {  	s3 =	sand.u32 $0x4000, s31;
	s1 =	sadd.s32 s1, s30  }
0xbd: {  	s0 =	sor.u32 s3, s0;
	s1 =	sshll.u32 s1, $0x11  }
0xbe: {  	s0 =	sor.u32 s1, s0  }
0xbf: {  	s0 =	sadd.s32 $0x8F2B, s0  }
0xc0: {  	[sflag:s0] =	ssyncadd.remote.s32 $0x1  }
0xc1: {  	_ =	sfence.sel $0xFFFF  }
0xc2: {  	[dreg:$0x0] =	wrdreg $0xFFFFFFFF;
	(pc) =	sbr.abs _section_cstart, $3  }
0xc3: {  	[dreg:$0x1] =	wrdreg $0xFFFFFFFF  }
0xc4: {  	_ =	task.clear_ibuf [dreg:s8], $0x2FFFF;
	_ =	strace $0x9FFFFFFF  }
0xc5: {  	(tm) =	ssettm $0x7FFFFFFF  }
tec
execute0_lowered:
.L_overlay_start_1:
0x0: {  	(tag) =	ssettag $0x1  }
0x1: {  	s0 =	rddreg [dreg:$0x0]  }
0x2: {  	s1 =	rddreg [dreg:$0x1]  }
0x3: {  	s2 =	srdreg.scid;
	s13 =	stileid.u32  }
0x4: {  	s4 =	rddreg [dreg:$0x2];
	s15 =	simm.s32 $0x1F40;
	s16 =	simm.s32 $0x9  }
0x5: {  	s17 =	simm.s32 $0x80;
	s18 =	simm.s32 $0x8340;
	s7 =	smul.u32 $0x19000, s13  }
0x6: {  	s28 =	simm.s32 $0x2;
	s29 =	simm.s32 $0x6;
	s9 =	smul.u32 $0xC80, s13  }
0x7: {  	s30 =	simm.s32 $0x3;
	s31 =	simm.s32 $0x7;
	s23 =	smul.u32 $0x640000, s13  }
0x8: {  	s19 =	simm.s32 $0x0;
	s11 =	sand.u32 $0x1, s2;
	s25 =	smul.u32 $0xC8000, s13  }
0x9: {  	s3 =	sshll.u32 s13, $0x1;
	s2 =	rddreg [dreg:$0x3];
	s12 =	smul.u32 $0x320000, s11  }
0xa: {  	p0 =	sgt.u32 s13, $0x4;
	s5 =	sor.u32 s11, s3;
	s26 =	smul.u32 $0x64000, s11  }
0xb: {  	s3 =	simm.s32 $0x0;
	s8 =	ssub.s32 $0x2, s11;
	s6 =	smul.u32 $0x6400, s5  }
0xc: {  	[smem:$0x7FF] =	sst s3;
	s10 =	sshrl.u32 s8, $0x1;
	s5 =	smul.u32 $0x320000, s5  }
0xd: {  	s20 =	sshrl.u32 s7, $0x2;
	s1 =	sadd.s32 s1, s9;
	_ =	strace $0x80000047  }
0xe: {  	s10 =	ssub.s32 s8, s10;
	s14 =	sadd.s32 s20, s2;
	[dreg:$0x5] =	wrdreg s1  }
0xf: {  	s1 =	sadd.s32 s12, s23;
	s20 =	simm.s32 $0xC340;
	s6 =	sshrl.u32 s6, $0x3  }
0x10: {  	s21 =	sshrl.u32 s5, $0x3;
	s10 =	smax.u32 s10, $0x1;
	s1 =	sshrl.u32 s1, $0x3  }
0x11: {  	s14 =	sshrl.u32 @!p0 s14, $0x3;
	s0 =	sadd.s32 s6, s0;
	s22 =	sadd.s32 s4, s21  }
0x12: {  	s11 =	sadd.s32 s1, s4;
	s1 =	simm.s32 $0x4;
	s0 =	sadd.s32 $0x400, s0  }
0x13: {  	s24 =	sadd.s32 $0x62000, s22;
	s7 =	sadd.s32 $0x62800, s22;
	s8 =	sadd.s32 $0x63000, s22  }
0x14: {  	s9 =	sadd.s32 $0x63800, s22;
	s22 =	simm.s32 $0x10340;
	[dreg:$0x6] =	wrdreg s0  }
0x15: {  	[dreg:$0x7] =	wrdreg s24;
	s0 =	sadd.s32 s25, s4;
	s24 =	simm.s32 $0x14340  }
0x16: {  	s25 =	simm.s32 $0x1;
	s12 =	sadd.s32 s26, s0;
	s0 =	sshll.u32 @!p0 s13, $0x6  }
0x17: {  	s26 =	simm.s32 $0x5;
	s13 =	sor.u32 @!p0 $0x1C01, s0;
	s0 =	simm.s32 $0x8  }
.LBB2_1:
0x18: {  	s4 =	rddreg [dreg:$0x5]  }
0x19: {  	[spmem:s14], [sflag:s13] =	dma.local @!p0 [hbm:s4], $0xC80  }
0x1a: {  	s4 =	rddreg [dreg:$0x6]  }
0x1b: {  	[tilespmem:s15], [sflag:$0x9] =	stream.linear.gather [hbm4b:s4+s3], $0x6400, $0x38;
	[tilespmem:$0x18340] =	vst v63  }
0x1c: {  	_ =	swait.ge [sflag:s16], $0x6400  }
0x1d: {  	[sflag:s16] =	ssyncset.done $0x0  }
0x1e: {  	s4 =	simm.s32 @!p0 $0x1;
	[sflag:s16] =	ssyncadd.s32 $0xFFFF9C00  }
0x1f: {  	_ =	swait.ge @!p0 [sflag:s4], $0xC80  }
0x20: {  	[sflag:s4] =	ssyncset.done @!p0 $0x0  }
0x21: {  	[sflag:s4] =	ssyncadd.s32 @!p0 $0xFFFFF380  }
0x22: {  	[bflag:$0x0] =	sbarrier.arrive $0xFFFF  }
0x23: {  	[tilespmem:s18], [sflag:$0x1] =	stream.indirect.gather [spmem:s2], $0x80, s15, s17, $0xb8;
	[tilespmem:$0x18340] =	vst v63  }
0x24: {  	s23 =	simm.s32 $0x1FC0  }
0x25: {  	[tilespmem:s20], [sflag:$0x2] =	stream.indirect.gather [spmem:s2], $0x80, s23, s17, $0xb8;
	[tilespmem:$0x18340] =	vst v63  }
0x26: {  	s5 =	simm.s32 $0x2040  }
0x27: {  	[tilespmem:s22], [sflag:$0x3] =	stream.indirect.gather [spmem:s2], $0x80, s5, s17, $0xb8;
	[tilespmem:$0x18340] =	vst v63  }
0x28: {  	s6 =	simm.s32 $0x20C0  }
0x29: {  	[tilespmem:s24], [sflag:$0x4] =	stream.indirect.gather [spmem:s2], $0x80, s6, s17, $0xb8;
	[tilespmem:$0x18340] =	vst v63  }
0x2a: {  	_ =	swait.ge [sflag:s25], $0x4000  }
0x2b: {  	[sflag:s25] =	ssyncset.done $0x0  }
0x2c: {  	s21 =	sadd.s32 $0x0, s11;
	[sflag:s25] =	ssyncadd.s32 $0xFFFFC000  }
0x2d: {  	[hbm4b:s21+s3] =	stream.linear.scatter [tilespmem:s18], [sflag:$0x5], $0x4000, $0x38;
	[tilespmem:$0x18340] =	vst v63  }
0x2e: {  	_ =	swait.ge [sflag:s26], $0x4000  }
0x2f: {  	[sflag:s26] =	ssyncset.done $0x0  }
0x30: {  	s23 =	simm.s32 $0x2140;
	[sflag:s26] =	ssyncadd.s32 $0xFFFFC000  }
0x31: {  	[tilespmem:s18], [sflag:$0x1] =	stream.indirect.gather [spmem:s2], $0x80, s23, s17, $0xb8;
	[tilespmem:$0x18340] =	vst v63  }
0x32: {  	_ =	swait.ge [sflag:s28], $0x4000  }
0x33: {  	s4 =	sadd.s32 $0x0, s12;
	[sflag:s28] =	ssyncset.done $0x0  }
0x34: {  	s21 =	sadd.s32 $0x800, s4;
	[sflag:s28] =	ssyncadd.s32 $0xFFFFC000  }
0x35: {  	[hbm4b:s21+s3] =	stream.linear.scatter [tilespmem:s20], [sflag:$0x6], $0x4000, $0x38;
	[tilespmem:$0x18340] =	vst v63  }
0x36: {  	_ =	swait.ge [sflag:s29], $0x4000  }
0x37: {  	[sflag:s29] =	ssyncset.done $0x0  }
0x38: {  	s5 =	simm.s32 $0x21C0;
	[sflag:s29] =	ssyncadd.s32 $0xFFFFC000  }
0x39: {  	[tilespmem:s20], [sflag:$0x2] =	stream.indirect.gather [spmem:s2], $0x80, s5, s17, $0xb8;
	[tilespmem:$0x18340] =	vst v63  }
0x3a: {  	_ =	swait.ge [sflag:s30], $0x4000  }
0x3b: {  	[sflag:s30] =	ssyncset.done $0x0  }
0x3c: {  	s6 =	sadd.s32 $0x1000, s4;
	[sflag:s30] =	ssyncadd.s32 $0xFFFFC000  }
0x3d: {  	[hbm4b:s6+s3] =	stream.linear.scatter [tilespmem:s22], [sflag:$0x7], $0x4000, $0x38;
	[tilespmem:$0x18340] =	vst v63  }
0x3e: {  	_ =	swait.ge [sflag:s31], $0x4000  }
0x3f: {  	[sflag:s31] =	ssyncset.done $0x0  }
0x40: {  	s23 =	simm.s32 $0x2240;
	[sflag:s31] =	ssyncadd.s32 $0xFFFFC000  }
0x41: {  	[tilespmem:s22], [sflag:$0x3] =	stream.indirect.gather [spmem:s2], $0x80, s23, s17, $0xb8;
	[tilespmem:$0x18340] =	vst v63  }
0x42: {  	_ =	swait.ge [sflag:s1], $0x4000  }
0x43: {  	[sflag:s1] =	ssyncset.done $0x0  }
0x44: {  	s4 =	sadd.s32 $0x1800, s4;
	[sflag:s1] =	ssyncadd.s32 $0xFFFFC000  }
0x45: {  	[hbm4b:s4+s3] =	stream.linear.scatter [tilespmem:s24], [sflag:$0x8], $0x4000, $0x38;
	[tilespmem:$0x18340] =	vst v63  }
0x46: {  	_ =	swait.ge [sflag:s0], $0x4000  }
0x47: {  	s21 =	simm.s32 $0x22C0;
	[sflag:s0] =	ssyncset.done $0x0  }
0x48: {  	s23 =	simm.s32 $0x2000;
	s4 =	simm.s32 $0x24C0;
	[sflag:s0] =	ssyncadd.s32 $0xFFFFC000  }
.LBB2_2:
0x49: {  	[tilespmem:s24], [sflag:$0x4] =	stream.indirect.gather [spmem:s2], $0x80, s21, s17, $0xb8;
	[tilespmem:$0x18340] =	vst v63  }
0x4a: {  	s5 =	smov.u32 s23;
	s21 =	smov.u32 s4  }
0x4b: {  	p1 =	sne.s32 s23, $0x60000;
	s23 =	sadd.s32 $0x2000, s23;
	_ =	swait.ge [sflag:s25], $0x4000  }
0x4c: {  	[sflag:s25] =	ssyncset.done $0x0  }
0x4d: {  	s6 =	sadd.s32 s5, s11;
	[sflag:s25] =	ssyncadd.s32 $0xFFFFC000  }
0x4e: {  	[hbm4b:s6+s3] =	stream.linear.scatter [tilespmem:s18], [sflag:$0x5], $0x4000, $0x38;
	[tilespmem:$0x18340] =	vst v63  }
0x4f: {  	_ =	swait.ge [sflag:s26], $0x4000  }
0x50: {  	[sflag:s26] =	ssyncset.done $0x0  }
0x51: {  	s6 =	sadd.s32 $0xFFFFFE80, s4;
	[sflag:s26] =	ssyncadd.s32 $0xFFFFC000  }
0x52: {  	[tilespmem:s18], [sflag:$0x1] =	stream.indirect.gather [spmem:s2], $0x80, s6, s17, $0xb8;
	[tilespmem:$0x18340] =	vst v63  }
0x53: {  	_ =	swait.ge [sflag:s28], $0x4000  }
0x54: {  	s5 =	sadd.s32 s5, s12;
	[sflag:s28] =	ssyncset.done $0x0  }
0x55: {  	s6 =	sadd.s32 $0x800, s5;
	[sflag:s28] =	ssyncadd.s32 $0xFFFFC000  }
0x56: {  	[hbm4b:s6+s3] =	stream.linear.scatter [tilespmem:s20], [sflag:$0x6], $0x4000, $0x38;
	[tilespmem:$0x18340] =	vst v63  }
0x57: {  	_ =	swait.ge [sflag:s29], $0x4000  }
0x58: {  	[sflag:s29] =	ssyncset.done $0x0  }
0x59: {  	s6 =	sadd.s32 $0xFFFFFF00, s4;
	[sflag:s29] =	ssyncadd.s32 $0xFFFFC000  }
0x5a: {  	[tilespmem:s20], [sflag:$0x2] =	stream.indirect.gather [spmem:s2], $0x80, s6, s17, $0xb8;
	[tilespmem:$0x18340] =	vst v63  }
0x5b: {  	_ =	swait.ge [sflag:s30], $0x4000  }
0x5c: {  	[sflag:s30] =	ssyncset.done $0x0  }
0x5d: {  	s6 =	sadd.s32 $0x1000, s5;
	[sflag:s30] =	ssyncadd.s32 $0xFFFFC000  }
0x5e: {  	[hbm4b:s6+s3] =	stream.linear.scatter [tilespmem:s22], [sflag:$0x7], $0x4000, $0x38;
	[tilespmem:$0x18340] =	vst v63  }
0x5f: {  	_ =	swait.ge [sflag:s31], $0x4000  }
0x60: {  	[sflag:s31] =	ssyncset.done $0x0  }
0x61: {  	s6 =	sadd.s32 $0xFFFFFF80, s4;
	[sflag:s31] =	ssyncadd.s32 $0xFFFFC000  }
0x62: {  	[tilespmem:s22], [sflag:$0x3] =	stream.indirect.gather [spmem:s2], $0x80, s6, s17, $0xb8;
	[tilespmem:$0x18340] =	vst v63  }
0x63: {  	_ =	swait.ge [sflag:s1], $0x4000  }
0x64: {  	[sflag:s1] =	ssyncset.done $0x0  }
.Ltmp0:
0x65: {  	s5 =	sadd.s32 $0x1800, s5;
	[sflag:s1] =	ssyncadd.s32 $0xFFFFC000;
	(pc) =	sbr.rel @p1 .LBB2_2-.Ltmp0, $4  }
0x66: {  	[hbm4b:s5+s3] =	stream.linear.scatter [tilespmem:s24], [sflag:$0x8], $0x4000, $0x38;
	[tilespmem:$0x18340] =	vst v63  }
0x67: {  	_ =	swait.ge [sflag:s0], $0x4000  }
0x68: {  	[sflag:s0] =	ssyncset.done $0x0  }
0x69: {  	s4 =	sadd.s32 $0x200, s4;
	[sflag:s0] =	ssyncadd.s32 $0xFFFFC000  }
0x6a: {  	[tilespmem:s24], [sflag:$0x4] =	stream.indirect.gather [spmem:s2], $0x80, s21, s17, $0xb8;
	[tilespmem:$0x18340] =	vst v63  }
0x6b: {  	_ =	swait.ge [sflag:s25], $0x4000  }
0x6c: {  	[sflag:s25] =	ssyncset.done $0x0  }
0x6d: {  	s4 =	rddreg [dreg:$0x7];
	[sflag:s25] =	ssyncadd.s32 $0xFFFFC000  }
0x6e: {  	[hbm4b:s4+s3] =	stream.linear.scatter [tilespmem:s18], [sflag:$0x5], $0x4000, $0x38;
	[tilespmem:$0x18340] =	vst v63  }
0x6f: {  	_ =	swait.ge [sflag:s28], $0x4000  }
0x70: {  	[sflag:s28] =	ssyncset.done $0x0  }
0x71: {  	[sflag:s28] =	ssyncadd.s32 $0xFFFFC000  }
0x72: {  	[hbm4b:s7+s3] =	stream.linear.scatter [tilespmem:s20], [sflag:$0x6], $0x4000, $0x38;
	[tilespmem:$0x18340] =	vst v63  }
0x73: {  	_ =	swait.ge [sflag:s30], $0x4000  }
0x74: {  	[sflag:s30] =	ssyncset.done $0x0  }
0x75: {  	[sflag:s30] =	ssyncadd.s32 $0xFFFFC000  }
0x76: {  	[hbm4b:s8+s3] =	stream.linear.scatter [tilespmem:s22], [sflag:$0x7], $0x4000, $0x38;
	[tilespmem:$0x18340] =	vst v63  }
0x77: {  	_ =	swait.ge [sflag:s1], $0x4000  }
0x78: {  	[sflag:s1] =	ssyncset.done $0x0  }
0x79: {  	[sflag:s1] =	ssyncadd.s32 $0xFFFFC000  }
0x7a: {  	[hbm4b:s9+s3] =	stream.linear.scatter [tilespmem:s24], [sflag:$0x8], $0x4000, $0x38;
	[tilespmem:$0x18340] =	vst v63  }
0x7b: {  	_ =	swait.ge [sflag:s26], $0x4000  }
0x7c: {  	[sflag:s26] =	ssyncset.done $0x0  }
0x7d: {  	[sflag:s26] =	ssyncadd.s32 $0xFFFFC000  }
0x7e: {  	_ =	swait.ge [sflag:s29], $0x4000  }
0x7f: {  	[sflag:s29] =	ssyncset.done $0x0  }
0x80: {  	s19 =	sadd.s32 $0x1, s19;
	[sflag:s29] =	ssyncadd.s32 $0xFFFFC000  }
0x81: {  	p1 =	sne.s32 s19, s10;
	_ =	swait.ge [sflag:s31], $0x4000  }
.Ltmp1:
0x82: {  	[sflag:s31] =	ssyncset.done $0x0;
	(pc) =	sbr.rel @p1 .LBB2_1-.Ltmp1, $4  }
0x83: {  	[sflag:s31] =	ssyncadd.s32 $0xFFFFC000  }
0x84: {  	_ =	swait.ge [sflag:s0], $0x4000  }
0x85: {  	[sflag:s0] =	ssyncset.done $0x0  }
0x86: {  	[sflag:s0] =	ssyncadd.s32 $0xFFFFC000  }
0x87: {  	_ =	sfence.sel $0x180000  }
0x88: {  	[bflag:$0x0] =	sbarrier.arrive $0xFFFF  }
0x89: {  	_ =	strace $0x90000047  }
0x8a: {  	s0 =	stileid.u32;
	[bflag:$0x2] =	sbarrier.arrive $0xFFFF  }
0x8b: {  	p0 =	sne.s32 s0, $0x0;
	s0 =	rddreg [dreg:$0x4]  }
0x8c: {  	s0 =	sadd.s32 @!p0 $0x100000, s0  }
0x8d: {  	[sflag:s0] =	ssyncadd.tile.s32 @!p0 $0x1;
	_ =	shalt  }
.Lfunc_end2:
_tile_overlayer_lowered:
.L_overlay_start_2:
0x8e: {  	(tag) =	ssettag $0x2  }
0x8f: {  	s0 =	rddreg [dreg:$0x0];
	s2 =	stileid.u32  }
0x90: {  	s1 =	rddreg [dreg:$0x1];
	p0 =	sne.s32 s2, $0x0  }
0x91: {  	s3 =	rddreg [dreg:$0x2];
	[bflag:$0x3] =	sbarrier.arrive $0xFFFF;
	s2 =	simm.s32 @!p0 $0x1C09  }
0x92: {  	[timem:s3], [sflag:s2] =	dma.local @!p0 [hbm:s0], s1  }
0x93: {  	s0 =	simm.s32 @!p0 $0x9  }
0x94: {  	_ =	swait.ge @!p0 [sflag:s0], s1  }
0x95: {  	s1 =	ssub.s32 @!p0 $0x0, s1;
	[sflag:s0] =	ssyncset.done @!p0 $0x0  }
0x96: {  	[sflag:s0] =	ssyncadd.s32 @!p0 s1  }
0x97: {  	[bflag:$0x3] =	sbarrier.arrive $0xFFFF  }
0x98: {  	_ =	shalt  }

</sc_bundles>
